<compile_context>
chip_gen: v7x
topology: tpu7x:2x2x1
jax: 0.10.2.dev20260603
libtpu: 0.0.44.dev20260713+nightly
codegen_flags: <defaults>
</compile_context>

<pallas_src>
import functools

import jax
import jax.numpy as jnp
from jax import lax
from jax.experimental import pallas as pl
from jax.experimental.pallas import tpu as pltpu
from jax.experimental.pallas import tpu_sc as plsc

_NC, _NS = 2, 16
_NW = _NC * _NS
_B = 1024 * 20
_PER_W = _B // _NW
_CHUNK = 32
_NCHUNK = _PER_W // _CHUNK
_NPAIR = _NCHUNK // 2

_D_BIG = 768
_D_SMALL = 256
_D_OUT = 2 * _D_BIG + 3 * _D_SMALL


def _build():
  mesh = plsc.VectorSubcoreMesh(core_axis_name="c", subcore_axis_name="s")

  @functools.partial(
      pl.kernel, mesh=mesh,
      out_type=jax.ShapeDtypeStruct((_B, _D_OUT), jnp.float32),
      scratch_types=[
          pltpu.VMEM((_NCHUNK, _CHUNK), jnp.int32),
          pltpu.VMEM((_CHUNK, _D_BIG), jnp.float32),
          pltpu.VMEM((_CHUNK, _D_BIG), jnp.float32),
          pltpu.VMEM((_CHUNK, _D_SMALL), jnp.float32),
          pltpu.VMEM((_CHUNK, _D_SMALL), jnp.float32),
          pltpu.SemaphoreType.DMA,
          pltpu.SemaphoreType.DMA,
          pltpu.SemaphoreType.DMA,
          pltpu.SemaphoreType.DMA,
      ],
  )
  def emb(ip, ic, icol, isz, igr, wp, wc, wcol, wsz, wgr,
          out, idx_v, big0, big1, small0, small1, gs0, gs1, ws0, ws1):
    wid = lax.axis_index("s") * _NC + lax.axis_index("c")
    base = wid * _PER_W
    tables = [
        (ip, wp, big0, big1, _D_BIG, 0),
        (ic, wc, big0, big1, _D_BIG, _D_BIG),
        (icol, wcol, small0, small1, _D_SMALL, 2 * _D_BIG),
        (isz, wsz, small0, small1, _D_SMALL, 2 * _D_BIG + _D_SMALL),
        (igr, wgr, small0, small1, _D_SMALL, 2 * _D_BIG + 2 * _D_SMALL),
    ]
    for idx_hbm, w_hbm, buf0, buf1, dcol, coff in tables:
      pltpu.sync_copy(idx_hbm.at[wid], idx_v)

      def gather(c, buf, sem, w_hbm=w_hbm):
        pltpu.async_copy(w_hbm.at[idx_v.at[c]], buf, sem)

      def gwait(buf, sem, w_hbm=w_hbm):
        pltpu.make_async_copy(w_hbm.at[idx_v.at[0]], buf, sem).wait()

      def odst(c, dcol=dcol, coff=coff):
        return out.at[pl.ds(base + c * _CHUNK, _CHUNK), pl.ds(coff, dcol)]

      def write(c, buf, sem):
        pltpu.async_copy(buf, odst(c), sem)

      def wwait(buf, sem):
        pltpu.make_async_copy(buf, odst(0), sem).wait()

      gather(0, buf0, gs0)

      def body(k, carry, buf0=buf0, buf1=buf1):
        c0 = 2 * k
        gwait(buf0, gs0)
        gather(c0 + 1, buf1, gs1)
        write(c0, buf0, ws0)
        gwait(buf1, gs1)
        wwait(buf0, ws0)
        gather(c0 + 2, buf0, gs0)
        write(c0 + 1, buf1, ws1)
        wwait(buf1, ws1)
        return carry

      lax.fori_loop(0, _NPAIR - 1, body, None)

      c0 = _NCHUNK - 2
      gwait(buf0, gs0)
      gather(c0 + 1, buf1, gs1)
      write(c0, buf0, ws0)
      gwait(buf1, gs1)
      wwait(buf0, ws0)
      write(c0 + 1, buf1, ws1)
      wwait(buf1, ws1)

  return emb


_EMB = _build()


def kernel(product, customer, color, size, group,
           W_product, W_customer, W_color, W_size, W_group):
  def prep(i):
    return jnp.asarray(i, jnp.int32).reshape(_NW, _NCHUNK, _CHUNK)

  out = _EMB(prep(product), prep(customer), prep(color), prep(size),
             prep(group), W_product, W_customer, W_color, W_size, W_group)
  return out.reshape(1024, 20, _D_OUT)

# --- scband reference (transcript-rebuilt; emitter-appended) ---
"""Pipeline reference for scband-embedding-cc-66898410602837 (READ-ONLY COPY).

The authoritative reference and input builder live on the scoring server;
editing this copy changes nothing except your own understanding.
"""

import jax, jax.numpy as jnp
import numpy as np


def setup_inputs(seed: int = 0) -> dict:
    key = jax.random.key(seed)
    ks = jax.random.split(key, 10)
    inp = {}
    inp["product"] = jax.random.randint(ks[0], (1024, 20), 0, 100000)
    inp["customer"] = jax.random.randint(ks[1], (1024, 20), 0, 100000)
    inp["color"] = jax.random.randint(ks[2], (1024, 20), 0, 1000)
    inp["size"] = jax.random.randint(ks[3], (1024, 20), 0, 1000)
    inp["group"] = jax.random.randint(ks[4], (1024, 20), 0, 1000)
    # Embedding tables (padding_idx=0 -> row 0 zeroed, matching torch init semantics for padding row)
    inp["W_product"] = (jax.random.normal(ks[5], (100000, 768), dtype=jnp.float32)).at[0].set(0.0)
    inp["W_customer"] = (jax.random.normal(ks[6], (100000, 768), dtype=jnp.float32)).at[0].set(0.0)
    inp["W_color"] = (jax.random.normal(ks[7], (1000, 256), dtype=jnp.float32)).at[0].set(0.0)
    inp["W_size"] = (jax.random.normal(ks[8], (1000, 256), dtype=jnp.float32)).at[0].set(0.0)
    inp["W_group"] = (jax.random.normal(ks[9], (1000, 256), dtype=jnp.float32)).at[0].set(0.0)
    return inp


def reference(product, customer, color, size, group, W_product, W_customer, W_color, W_size, W_group):
    # Faithful translation of EmbeddingCC.forward.
    # Dropout is evaluated in eval mode (identity), as is standard for deterministic references.
    x = jnp.concatenate([
        jnp.take(W_product, product, axis=0),
        jnp.take(W_customer, customer, axis=0),
        jnp.take(W_color, color, axis=0),
        jnp.take(W_size, size, axis=0),
        jnp.take(W_group, group, axis=0),
    ], axis=-1)
    return x

if __name__ == "__main__":
    import jax
    _d = setup_inputs()
    print(jax.jit(kernel)(*tuple(_d.values())))

</pallas_src>

<mosaic_0001>
#map = affine_map<(d0, d1) -> (0, 0, 0)>
#map1 = affine_map<(d0, d1) -> (0, 0)>
module attributes {stable_mosaic.version = 14 : i64} {
  func.func @emb(%arg0: i32, %arg1: i32, %arg2: memref<32x20x32xi32, #tpu.memory_space<hbm>>, %arg3: memref<32x20x32xi32, #tpu.memory_space<hbm>>, %arg4: memref<32x20x32xi32, #tpu.memory_space<hbm>>, %arg5: memref<32x20x32xi32, #tpu.memory_space<hbm>>, %arg6: memref<32x20x32xi32, #tpu.memory_space<hbm>>, %arg7: memref<100000x768xf32, #tpu.memory_space<hbm>>, %arg8: memref<100000x768xf32, #tpu.memory_space<hbm>>, %arg9: memref<1000x256xf32, #tpu.memory_space<hbm>>, %arg10: memref<1000x256xf32, #tpu.memory_space<hbm>>, %arg11: memref<1000x256xf32, #tpu.memory_space<hbm>>, %arg12: memref<20480x2304xf32, #tpu.memory_space<hbm>>, %arg13: memref<20x32xi32, #tpu.memory_space<vmem>>, %arg14: memref<32x768xf32, #tpu.memory_space<vmem>>, %arg15: memref<32x768xf32, #tpu.memory_space<vmem>>, %arg16: memref<32x256xf32, #tpu.memory_space<vmem>>, %arg17: memref<32x256xf32, #tpu.memory_space<vmem>>, %arg18: memref<!tpu.dma_semaphore, #tpu.memory_space<semaphore_mem>>, %arg19: memref<!tpu.dma_semaphore, #tpu.memory_space<semaphore_mem>>, %arg20: memref<!tpu.dma_semaphore, #tpu.memory_space<semaphore_mem>>, %arg21: memref<!tpu.dma_semaphore, #tpu.memory_space<semaphore_mem>>) attributes {dimension_semantics = [#tpu.dimension_semantics<core_parallel>, #tpu.dimension_semantics<subcore_parallel>], iteration_bounds = array<i64: 2, 16>, scalar_prefetch = 0 : i64, scratch_operands = 9 : i64, tpu.core_type = #tpu.core_type<sc_vector_subcore>, window_params = [{transform_indices = #map}, {transform_indices = #map}, {transform_indices = #map}, {transform_indices = #map}, {transform_indices = #map}, {transform_indices = #map1}, {transform_indices = #map1}, {transform_indices = #map1}, {transform_indices = #map1}, {transform_indices = #map1}, {transform_indices = #map1}]} {
    %mul3A = arith.constant 2 : i32
    %mul3A_0 = arith.muli %arg1, %mul3A : i32
    %add3A = arith.addi %mul3A_0, %arg0 : i32
    %mul3A_1 = arith.constant 640 : i32
    %mul3A_2 = arith.muli %add3A, %mul3A_1 : i32
    "tpu.region"() ({
      %run_scoped3A = tpu.sem_alloc : memref<!tpu.dma_semaphore, #tpu.memory_space<semaphore_mem>>
      %dma_start3A_285 = arith.constant 0 : i32
      %dma_start3A_286 = arith.constant 0 : i32
      %dma_start3A_287 = tpu.memref_slice %arg2[%add3A, %dma_start3A_285, %dma_start3A_286] : memref<32x20x32xi32, #tpu.memory_space<hbm>> -> memref<1x20x32xi32, #tpu.memory_space<hbm>>
      %dma_start3A_288 = tpu.memref_squeeze %dma_start3A_287 : memref<1x20x32xi32, #tpu.memory_space<hbm>> -> memref<20x32xi32, #tpu.memory_space<hbm>>
      %dma_start3A_289 = arith.constant 0 : i32
      %dma_start3A_290 = arith.constant 0 : i32
      %dma_start3A_291 = tpu.memref_slice %arg2[%add3A, %dma_start3A_289, %dma_start3A_290] : memref<32x20x32xi32, #tpu.memory_space<hbm>> -> memref<1x20x32xi32, #tpu.memory_space<hbm>>
      %dma_start3A_292 = tpu.memref_squeeze %dma_start3A_291 : memref<1x20x32xi32, #tpu.memory_space<hbm>> -> memref<20x32xi32, #tpu.memory_space<hbm>>
      tpu.enqueue_dma source(%dma_start3A_292 : memref<20x32xi32, #tpu.memory_space<hbm>>) target(%arg13 : memref<20x32xi32, #tpu.memory_space<vmem>>) target_semaphore(%run_scoped3A : memref<!tpu.dma_semaphore, #tpu.memory_space<semaphore_mem>>)
      %dma_wait3A_293 = arith.constant 0 : i32
      %dma_wait3A_294 = arith.constant 0 : i32
      %dma_wait3A_295 = tpu.memref_slice %arg2[%add3A, %dma_wait3A_293, %dma_wait3A_294] : memref<32x20x32xi32, #tpu.memory_space<hbm>> -> memref<1x20x32xi32, #tpu.memory_space<hbm>>
      %dma_wait3A_296 = tpu.memref_squeeze %dma_wait3A_295 : memref<1x20x32xi32, #tpu.memory_space<hbm>> -> memref<20x32xi32, #tpu.memory_space<hbm>>
      %dma_wait3A_297 = arith.constant 0 : i32
      %dma_wait3A_298 = arith.constant 0 : i32
      %dma_wait3A_299 = tpu.memref_slice %arg2[%add3A, %dma_wait3A_297, %dma_wait3A_298] : memref<32x20x32xi32, #tpu.memory_space<hbm>> -> memref<1x20x32xi32, #tpu.memory_space<hbm>>
      %dma_wait3A_300 = tpu.memref_squeeze %dma_wait3A_299 : memref<1x20x32xi32, #tpu.memory_space<hbm>> -> memref<20x32xi32, #tpu.memory_space<hbm>>
      tpu.wait_dma2 semaphore(%run_scoped3A : memref<!tpu.dma_semaphore, #tpu.memory_space<semaphore_mem>>) src(%dma_wait3A_300 : memref<20x32xi32, #tpu.memory_space<hbm>>) dst(%arg13 : memref<20x32xi32, #tpu.memory_space<vmem>>)
      tpu.yield
    }) : () -> ()
    %dma_start3A = arith.constant 0 : i32
    %dma_start3A_3 = arith.constant 0 : i32
    %dma_start3A_4 = tpu.memref_slice %arg13[%dma_start3A, %dma_start3A_3] : memref<20x32xi32, #tpu.memory_space<vmem>> -> memref<1x32xi32, #tpu.memory_space<vmem>>
    %dma_start3A_5 = tpu.memref_squeeze %dma_start3A_4 : memref<1x32xi32, #tpu.memory_space<vmem>> -> memref<32xi32, #tpu.memory_space<vmem>>
    %dma_start3A_6 = arith.constant 0 : i32
    %dma_start3A_7 = arith.constant 0 : i32
    %dma_start3A_8 = tpu.memref_slice %arg7[%dma_start3A_6, %dma_start3A_7] : memref<100000x768xf32, #tpu.memory_space<hbm>> -> memref<100000x768xf32, #tpu.memory_space<hbm>>
    tpu.enqueue_indirect_dma source(%dma_start3A_8 : memref<100000x768xf32, #tpu.memory_space<hbm>>) target(%arg14 : memref<32x768xf32, #tpu.memory_space<vmem>>) offsets(%dma_start3A_5 : memref<32xi32, #tpu.memory_space<vmem>>) semaphore(%arg18 : memref<!tpu.dma_semaphore, #tpu.memory_space<semaphore_mem>>)
    %scan3A = arith.constant 0 : i32
    %scan3A_9 = arith.constant 9 : i32
    %scan3A_10 = arith.addi %scan3A, %scan3A_9 : i32
    %scan3A_11 = arith.constant 1 : i32
    scf.for %scan3A_285 = %scan3A to %scan3A_10 step %scan3A_11  : i32 {
      %mul3A_286 = arith.constant 2 : i32
      %mul3A_287 = arith.muli %mul3A_286, %scan3A_285 : i32
      %dma_wait3A_288 = arith.constant 0 : i32
      %dma_wait3A_289 = arith.constant 0 : i32
      %dma_wait3A_290 = tpu.memref_slice %arg13[%dma_wait3A_288, %dma_wait3A_289] : memref<20x32xi32, #tpu.memory_space<vmem>> -> memref<1x32xi32, #tpu.memory_space<vmem>>
      %dma_wait3A_291 = tpu.memref_squeeze %dma_wait3A_290 : memref<1x32xi32, #tpu.memory_space<vmem>> -> memref<32xi32, #tpu.memory_space<vmem>>
      %dma_wait3A_292 = arith.constant 0 : i32
      %dma_wait3A_293 = arith.constant 0 : i32
      %dma_wait3A_294 = tpu.memref_slice %arg7[%dma_wait3A_292, %dma_wait3A_293] : memref<100000x768xf32, #tpu.memory_space<hbm>> -> memref<100000x768xf32, #tpu.memory_space<hbm>>
      tpu.wait_indirect_dma semaphore(%arg18 : memref<!tpu.dma_semaphore, #tpu.memory_space<semaphore_mem>>) src(%dma_wait3A_294 : memref<100000x768xf32, #tpu.memory_space<hbm>>) dst(%arg14 : memref<32x768xf32, #tpu.memory_space<vmem>>)
      %add3A_295 = arith.constant 1 : i32
      %add3A_296 = arith.addi %mul3A_287, %add3A_295 : i32
      %dma_start3A_297 = arith.constant 0 : i32
      %dma_start3A_298 = tpu.memref_slice %arg13[%add3A_296, %dma_start3A_297] : memref<20x32xi32, #tpu.memory_space<vmem>> -> memref<1x32xi32, #tpu.memory_space<vmem>>
      %dma_start3A_299 = tpu.memref_squeeze %dma_start3A_298 : memref<1x32xi32, #tpu.memory_space<vmem>> -> memref<32xi32, #tpu.memory_space<vmem>>
      %dma_start3A_300 = arith.constant 0 : i32
      %dma_start3A_301 = arith.constant 0 : i32
      %dma_start3A_302 = tpu.memref_slice %arg7[%dma_start3A_300, %dma_start3A_301] : memref<100000x768xf32, #tpu.memory_space<hbm>> -> memref<100000x768xf32, #tpu.memory_space<hbm>>
      tpu.enqueue_indirect_dma source(%dma_start3A_302 : memref<100000x768xf32, #tpu.memory_space<hbm>>) target(%arg15 : memref<32x768xf32, #tpu.memory_space<vmem>>) offsets(%dma_start3A_299 : memref<32xi32, #tpu.memory_space<vmem>>) semaphore(%arg19 : memref<!tpu.dma_semaphore, #tpu.memory_space<semaphore_mem>>)
      %mul3A_303 = arith.constant 32 : i32
      %mul3A_304 = arith.muli %mul3A_287, %mul3A_303 : i32
      %add3A_305 = arith.addi %mul3A_2, %mul3A_304 : i32
      %dma_start3A_306 = arith.constant 0 : i32
      %dma_start3A_307 = tpu.memref_slice %arg12[%add3A_305, %dma_start3A_306] : memref<20480x2304xf32, #tpu.memory_space<hbm>> -> memref<32x768xf32, #tpu.memory_space<hbm>>
      %dma_start3A_308 = arith.constant 0 : i32
      %dma_start3A_309 = tpu.memref_slice %arg12[%add3A_305, %dma_start3A_308] : memref<20480x2304xf32, #tpu.memory_space<hbm>> -> memref<32x768xf32, #tpu.memory_space<hbm>>
      tpu.enqueue_dma source(%arg14 : memref<32x768xf32, #tpu.memory_space<vmem>>) target(%dma_start3A_309 : memref<32x768xf32, #tpu.memory_space<hbm>>) target_semaphore(%arg20 : memref<!tpu.dma_semaphore, #tpu.memory_space<semaphore_mem>>)
      %dma_wait3A_310 = arith.constant 0 : i32
      %dma_wait3A_311 = arith.constant 0 : i32
      %dma_wait3A_312 = tpu.memref_slice %arg13[%dma_wait3A_310, %dma_wait3A_311] : memref<20x32xi32, #tpu.memory_space<vmem>> -> memref<1x32xi32, #tpu.memory_space<vmem>>
      %dma_wait3A_313 = tpu.memref_squeeze %dma_wait3A_312 : memref<1x32xi32, #tpu.memory_space<vmem>> -> memref<32xi32, #tpu.memory_space<vmem>>
      %dma_wait3A_314 = arith.constant 0 : i32
      %dma_wait3A_315 = arith.constant 0 : i32
      %dma_wait3A_316 = tpu.memref_slice %arg7[%dma_wait3A_314, %dma_wait3A_315] : memref<100000x768xf32, #tpu.memory_space<hbm>> -> memref<100000x768xf32, #tpu.memory_space<hbm>>
      tpu.wait_indirect_dma semaphore(%arg19 : memref<!tpu.dma_semaphore, #tpu.memory_space<semaphore_mem>>) src(%dma_wait3A_316 : memref<100000x768xf32, #tpu.memory_space<hbm>>) dst(%arg15 : memref<32x768xf32, #tpu.memory_space<vmem>>)
      %add3A_317 = arith.constant 0 : i32
      %add3A_318 = arith.addi %mul3A_2, %add3A_317 : i32
      %dma_wait3A_319 = arith.constant 0 : i32
      %dma_wait3A_320 = tpu.memref_slice %arg12[%add3A_318, %dma_wait3A_319] : memref<20480x2304xf32, #tpu.memory_space<hbm>> -> memref<32x768xf32, #tpu.memory_space<hbm>>
      %dma_wait3A_321 = arith.constant 0 : i32
      %dma_wait3A_322 = tpu.memref_slice %arg12[%add3A_318, %dma_wait3A_321] : memref<20480x2304xf32, #tpu.memory_space<hbm>> -> memref<32x768xf32, #tpu.memory_space<hbm>>
      tpu.wait_dma2 semaphore(%arg20 : memref<!tpu.dma_semaphore, #tpu.memory_space<semaphore_mem>>) src(%arg14 : memref<32x768xf32, #tpu.memory_space<vmem>>) dst(%dma_wait3A_322 : memref<32x768xf32, #tpu.memory_space<hbm>>)
      %add3A_323 = arith.constant 2 : i32
      %add3A_324 = arith.addi %mul3A_287, %add3A_323 : i32
      %dma_start3A_325 = arith.constant 0 : i32
      %dma_start3A_326 = tpu.memref_slice %arg13[%add3A_324, %dma_start3A_325] : memref<20x32xi32, #tpu.memory_space<vmem>> -> memref<1x32xi32, #tpu.memory_space<vmem>>
      %dma_start3A_327 = tpu.memref_squeeze %dma_start3A_326 : memref<1x32xi32, #tpu.memory_space<vmem>> -> memref<32xi32, #tpu.memory_space<vmem>>
      %dma_start3A_328 = arith.constant 0 : i32
      %dma_start3A_329 = arith.constant 0 : i32
      %dma_start3A_330 = tpu.memref_slice %arg7[%dma_start3A_328, %dma_start3A_329] : memref<100000x768xf32, #tpu.memory_space<hbm>> -> memref<100000x768xf32, #tpu.memory_space<hbm>>
      tpu.enqueue_indirect_dma source(%dma_start3A_330 : memref<100000x768xf32, #tpu.memory_space<hbm>>) target(%arg14 : memref<32x768xf32, #tpu.memory_space<vmem>>) offsets(%dma_start3A_327 : memref<32xi32, #tpu.memory_space<vmem>>) semaphore(%arg18 : memref<!tpu.dma_semaphore, #tpu.memory_space<semaphore_mem>>)
      %add3A_331 = arith.constant 1 : i32
      %add3A_332 = arith.addi %mul3A_287, %add3A_331 : i32
      %mul3A_333 = arith.constant 32 : i32
      %mul3A_334 = arith.muli %add3A_332, %mul3A_333 : i32
      %add3A_335 = arith.addi %mul3A_2, %mul3A_334 : i32
      %dma_start3A_336 = arith.constant 0 : i32
      %dma_start3A_337 = tpu.memref_slice %arg12[%add3A_335, %dma_start3A_336] : memref<20480x2304xf32, #tpu.memory_space<hbm>> -> memref<32x768xf32, #tpu.memory_space<hbm>>
      %dma_start3A_338 = arith.constant 0 : i32
      %dma_start3A_339 = tpu.memref_slice %arg12[%add3A_335, %dma_start3A_338] : memref<20480x2304xf32, #tpu.memory_space<hbm>> -> memref<32x768xf32, #tpu.memory_space<hbm>>
      tpu.enqueue_dma source(%arg15 : memref<32x768xf32, #tpu.memory_space<vmem>>) target(%dma_start3A_339 : memref<32x768xf32, #tpu.memory_space<hbm>>) target_semaphore(%arg21 : memref<!tpu.dma_semaphore, #tpu.memory_space<semaphore_mem>>)
      %add3A_340 = arith.constant 0 : i32
      %add3A_341 = arith.addi %mul3A_2, %add3A_340 : i32
      %dma_wait3A_342 = arith.constant 0 : i32
      %dma_wait3A_343 = tpu.memref_slice %arg12[%add3A_341, %dma_wait3A_342] : memref<20480x2304xf32, #tpu.memory_space<hbm>> -> memref<32x768xf32, #tpu.memory_space<hbm>>
      %dma_wait3A_344 = arith.constant 0 : i32
      %dma_wait3A_345 = tpu.memref_slice %arg12[%add3A_341, %dma_wait3A_344] : memref<20480x2304xf32, #tpu.memory_space<hbm>> -> memref<32x768xf32, #tpu.memory_space<hbm>>
      tpu.wait_dma2 semaphore(%arg21 : memref<!tpu.dma_semaphore, #tpu.memory_space<semaphore_mem>>) src(%arg15 : memref<32x768xf32, #tpu.memory_space<vmem>>) dst(%dma_wait3A_345 : memref<32x768xf32, #tpu.memory_space<hbm>>)
    }
    %scan3A_12 = arith.constant 9 : i32
    %dma_wait3A = arith.constant 0 : i32
    %dma_wait3A_13 = arith.constant 0 : i32
    %dma_wait3A_14 = tpu.memref_slice %arg13[%dma_wait3A, %dma_wait3A_13] : memref<20x32xi32, #tpu.memory_space<vmem>> -> memref<1x32xi32, #tpu.memory_space<vmem>>
    %dma_wait3A_15 = tpu.memref_squeeze %dma_wait3A_14 : memref<1x32xi32, #tpu.memory_space<vmem>> -> memref<32xi32, #tpu.memory_space<vmem>>
    %dma_wait3A_16 = arith.constant 0 : i32
    %dma_wait3A_17 = arith.constant 0 : i32
    %dma_wait3A_18 = tpu.memref_slice %arg7[%dma_wait3A_16, %dma_wait3A_17] : memref<100000x768xf32, #tpu.memory_space<hbm>> -> memref<100000x768xf32, #tpu.memory_space<hbm>>
    tpu.wait_indirect_dma semaphore(%arg18 : memref<!tpu.dma_semaphore, #tpu.memory_space<semaphore_mem>>) src(%dma_wait3A_18 : memref<100000x768xf32, #tpu.memory_space<hbm>>) dst(%arg14 : memref<32x768xf32, #tpu.memory_space<vmem>>)
    %dma_start3A_19 = arith.constant 19 : i32
    %dma_start3A_20 = arith.constant 0 : i32
    %dma_start3A_21 = tpu.memref_slice %arg13[%dma_start3A_19, %dma_start3A_20] : memref<20x32xi32, #tpu.memory_space<vmem>> -> memref<1x32xi32, #tpu.memory_space<vmem>>
    %dma_start3A_22 = tpu.memref_squeeze %dma_start3A_21 : memref<1x32xi32, #tpu.memory_space<vmem>> -> memref<32xi32, #tpu.memory_space<vmem>>
    %dma_start3A_23 = arith.constant 0 : i32
    %dma_start3A_24 = arith.constant 0 : i32
    %dma_start3A_25 = tpu.memref_slice %arg7[%dma_start3A_23, %dma_start3A_24] : memref<100000x768xf32, #tpu.memory_space<hbm>> -> memref<100000x768xf32, #tpu.memory_space<hbm>>
    tpu.enqueue_indirect_dma source(%dma_start3A_25 : memref<100000x768xf32, #tpu.memory_space<hbm>>) target(%arg15 : memref<32x768xf32, #tpu.memory_space<vmem>>) offsets(%dma_start3A_22 : memref<32xi32, #tpu.memory_space<vmem>>) semaphore(%arg19 : memref<!tpu.dma_semaphore, #tpu.memory_space<semaphore_mem>>)
    %add3A_26 = arith.constant 576 : i32
    %add3A_27 = arith.addi %mul3A_2, %add3A_26 : i32
    %dma_start3A_28 = arith.constant 0 : i32
    %dma_start3A_29 = tpu.memref_slice %arg12[%add3A_27, %dma_start3A_28] : memref<20480x2304xf32, #tpu.memory_space<hbm>> -> memref<32x768xf32, #tpu.memory_space<hbm>>
    %dma_start3A_30 = arith.constant 0 : i32
    %dma_start3A_31 = tpu.memref_slice %arg12[%add3A_27, %dma_start3A_30] : memref<20480x2304xf32, #tpu.memory_space<hbm>> -> memref<32x768xf32, #tpu.memory_space<hbm>>
    tpu.enqueue_dma source(%arg14 : memref<32x768xf32, #tpu.memory_space<vmem>>) target(%dma_start3A_31 : memref<32x768xf32, #tpu.memory_space<hbm>>) target_semaphore(%arg20 : memref<!tpu.dma_semaphore, #tpu.memory_space<semaphore_mem>>)
    %dma_wait3A_32 = arith.constant 0 : i32
    %dma_wait3A_33 = arith.constant 0 : i32
    %dma_wait3A_34 = tpu.memref_slice %arg13[%dma_wait3A_32, %dma_wait3A_33] : memref<20x32xi32, #tpu.memory_space<vmem>> -> memref<1x32xi32, #tpu.memory_space<vmem>>
    %dma_wait3A_35 = tpu.memref_squeeze %dma_wait3A_34 : memref<1x32xi32, #tpu.memory_space<vmem>> -> memref<32xi32, #tpu.memory_space<vmem>>
    %dma_wait3A_36 = arith.constant 0 : i32
    %dma_wait3A_37 = arith.constant 0 : i32
    %dma_wait3A_38 = tpu.memref_slice %arg7[%dma_wait3A_36, %dma_wait3A_37] : memref<100000x768xf32, #tpu.memory_space<hbm>> -> memref<100000x768xf32, #tpu.memory_space<hbm>>
    tpu.wait_indirect_dma semaphore(%arg19 : memref<!tpu.dma_semaphore, #tpu.memory_space<semaphore_mem>>) src(%dma_wait3A_38 : memref<100000x768xf32, #tpu.memory_space<hbm>>) dst(%arg15 : memref<32x768xf32, #tpu.memory_space<vmem>>)
    %add3A_39 = arith.constant 0 : i32
    %add3A_40 = arith.addi %mul3A_2, %add3A_39 : i32
    %dma_wait3A_41 = arith.constant 0 : i32
    %dma_wait3A_42 = tpu.memref_slice %arg12[%add3A_40, %dma_wait3A_41] : memref<20480x2304xf32, #tpu.memory_space<hbm>> -> memref<32x768xf32, #tpu.memory_space<hbm>>
    %dma_wait3A_43 = arith.constant 0 : i32
    %dma_wait3A_44 = tpu.memref_slice %arg12[%add3A_40, %dma_wait3A_43] : memref<20480x2304xf32, #tpu.memory_space<hbm>> -> memref<32x768xf32, #tpu.memory_space<hbm>>
    tpu.wait_dma2 semaphore(%arg20 : memref<!tpu.dma_semaphore, #tpu.memory_space<semaphore_mem>>) src(%arg14 : memref<32x768xf32, #tpu.memory_space<vmem>>) dst(%dma_wait3A_44 : memref<32x768xf32, #tpu.memory_space<hbm>>)
    %add3A_45 = arith.constant 608 : i32
    %add3A_46 = arith.addi %mul3A_2, %add3A_45 : i32
    %dma_start3A_47 = arith.constant 0 : i32
    %dma_start3A_48 = tpu.memref_slice %arg12[%add3A_46, %dma_start3A_47] : memref<20480x2304xf32, #tpu.memory_space<hbm>> -> memref<32x768xf32, #tpu.memory_space<hbm>>
    %dma_start3A_49 = arith.constant 0 : i32
    %dma_start3A_50 = tpu.memref_slice %arg12[%add3A_46, %dma_start3A_49] : memref<20480x2304xf32, #tpu.memory_space<hbm>> -> memref<32x768xf32, #tpu.memory_space<hbm>>
    tpu.enqueue_dma source(%arg15 : memref<32x768xf32, #tpu.memory_space<vmem>>) target(%dma_start3A_50 : memref<32x768xf32, #tpu.memory_space<hbm>>) target_semaphore(%arg21 : memref<!tpu.dma_semaphore, #tpu.memory_space<semaphore_mem>>)
    %add3A_51 = arith.constant 0 : i32
    %add3A_52 = arith.addi %mul3A_2, %add3A_51 : i32
    %dma_wait3A_53 = arith.constant 0 : i32
    %dma_wait3A_54 = tpu.memref_slice %arg12[%add3A_52, %dma_wait3A_53] : memref<20480x2304xf32, #tpu.memory_space<hbm>> -> memref<32x768xf32, #tpu.memory_space<hbm>>
    %dma_wait3A_55 = arith.constant 0 : i32
    %dma_wait3A_56 = tpu.memref_slice %arg12[%add3A_52, %dma_wait3A_55] : memref<20480x2304xf32, #tpu.memory_space<hbm>> -> memref<32x768xf32, #tpu.memory_space<hbm>>
    tpu.wait_dma2 semaphore(%arg21 : memref<!tpu.dma_semaphore, #tpu.memory_space<semaphore_mem>>) src(%arg15 : memref<32x768xf32, #tpu.memory_space<vmem>>) dst(%dma_wait3A_56 : memref<32x768xf32, #tpu.memory_space<hbm>>)
    "tpu.region"() ({
      %run_scoped3A = tpu.sem_alloc : memref<!tpu.dma_semaphore, #tpu.memory_space<semaphore_mem>>
      %dma_start3A_285 = arith.constant 0 : i32
      %dma_start3A_286 = arith.constant 0 : i32
      %dma_start3A_287 = tpu.memref_slice %arg3[%add3A, %dma_start3A_285, %dma_start3A_286] : memref<32x20x32xi32, #tpu.memory_space<hbm>> -> memref<1x20x32xi32, #tpu.memory_space<hbm>>
      %dma_start3A_288 = tpu.memref_squeeze %dma_start3A_287 : memref<1x20x32xi32, #tpu.memory_space<hbm>> -> memref<20x32xi32, #tpu.memory_space<hbm>>
      %dma_start3A_289 = arith.constant 0 : i32
      %dma_start3A_290 = arith.constant 0 : i32
      %dma_start3A_291 = tpu.memref_slice %arg3[%add3A, %dma_start3A_289, %dma_start3A_290] : memref<32x20x32xi32, #tpu.memory_space<hbm>> -> memref<1x20x32xi32, #tpu.memory_space<hbm>>
      %dma_start3A_292 = tpu.memref_squeeze %dma_start3A_291 : memref<1x20x32xi32, #tpu.memory_space<hbm>> -> memref<20x32xi32, #tpu.memory_space<hbm>>
      tpu.enqueue_dma source(%dma_start3A_292 : memref<20x32xi32, #tpu.memory_space<hbm>>) target(%arg13 : memref<20x32xi32, #tpu.memory_space<vmem>>) target_semaphore(%run_scoped3A : memref<!tpu.dma_semaphore, #tpu.memory_space<semaphore_mem>>)
      %dma_wait3A_293 = arith.constant 0 : i32
      %dma_wait3A_294 = arith.constant 0 : i32
      %dma_wait3A_295 = tpu.memref_slice %arg3[%add3A, %dma_wait3A_293, %dma_wait3A_294] : memref<32x20x32xi32, #tpu.memory_space<hbm>> -> memref<1x20x32xi32, #tpu.memory_space<hbm>>
      %dma_wait3A_296 = tpu.memref_squeeze %dma_wait3A_295 : memref<1x20x32xi32, #tpu.memory_space<hbm>> -> memref<20x32xi32, #tpu.memory_space<hbm>>
      %dma_wait3A_297 = arith.constant 0 : i32
      %dma_wait3A_298 = arith.constant 0 : i32
      %dma_wait3A_299 = tpu.memref_slice %arg3[%add3A, %dma_wait3A_297, %dma_wait3A_298] : memref<32x20x32xi32, #tpu.memory_space<hbm>> -> memref<1x20x32xi32, #tpu.memory_space<hbm>>
      %dma_wait3A_300 = tpu.memref_squeeze %dma_wait3A_299 : memref<1x20x32xi32, #tpu.memory_space<hbm>> -> memref<20x32xi32, #tpu.memory_space<hbm>>
      tpu.wait_dma2 semaphore(%run_scoped3A : memref<!tpu.dma_semaphore, #tpu.memory_space<semaphore_mem>>) src(%dma_wait3A_300 : memref<20x32xi32, #tpu.memory_space<hbm>>) dst(%arg13 : memref<20x32xi32, #tpu.memory_space<vmem>>)
      tpu.yield
    }) : () -> ()
    %dma_start3A_57 = arith.constant 0 : i32
    %dma_start3A_58 = arith.constant 0 : i32
    %dma_start3A_59 = tpu.memref_slice %arg13[%dma_start3A_57, %dma_start3A_58] : memref<20x32xi32, #tpu.memory_space<vmem>> -> memref<1x32xi32, #tpu.memory_space<vmem>>
    %dma_start3A_60 = tpu.memref_squeeze %dma_start3A_59 : memref<1x32xi32, #tpu.memory_space<vmem>> -> memref<32xi32, #tpu.memory_space<vmem>>
    %dma_start3A_61 = arith.constant 0 : i32
    %dma_start3A_62 = arith.constant 0 : i32
    %dma_start3A_63 = tpu.memref_slice %arg8[%dma_start3A_61, %dma_start3A_62] : memref<100000x768xf32, #tpu.memory_space<hbm>> -> memref<100000x768xf32, #tpu.memory_space<hbm>>
    tpu.enqueue_indirect_dma source(%dma_start3A_63 : memref<100000x768xf32, #tpu.memory_space<hbm>>) target(%arg14 : memref<32x768xf32, #tpu.memory_space<vmem>>) offsets(%dma_start3A_60 : memref<32xi32, #tpu.memory_space<vmem>>) semaphore(%arg18 : memref<!tpu.dma_semaphore, #tpu.memory_space<semaphore_mem>>)
    %scan3A_64 = arith.constant 0 : i32
    %scan3A_65 = arith.constant 9 : i32
    %scan3A_66 = arith.addi %scan3A_64, %scan3A_65 : i32
    %scan3A_67 = arith.constant 1 : i32
    scf.for %scan3A_285 = %scan3A_64 to %scan3A_66 step %scan3A_67  : i32 {
      %mul3A_286 = arith.constant 2 : i32
      %mul3A_287 = arith.muli %mul3A_286, %scan3A_285 : i32
      %dma_wait3A_288 = arith.constant 0 : i32
      %dma_wait3A_289 = arith.constant 0 : i32
      %dma_wait3A_290 = tpu.memref_slice %arg13[%dma_wait3A_288, %dma_wait3A_289] : memref<20x32xi32, #tpu.memory_space<vmem>> -> memref<1x32xi32, #tpu.memory_space<vmem>>
      %dma_wait3A_291 = tpu.memref_squeeze %dma_wait3A_290 : memref<1x32xi32, #tpu.memory_space<vmem>> -> memref<32xi32, #tpu.memory_space<vmem>>
      %dma_wait3A_292 = arith.constant 0 : i32
      %dma_wait3A_293 = arith.constant 0 : i32
      %dma_wait3A_294 = tpu.memref_slice %arg8[%dma_wait3A_292, %dma_wait3A_293] : memref<100000x768xf32, #tpu.memory_space<hbm>> -> memref<100000x768xf32, #tpu.memory_space<hbm>>
      tpu.wait_indirect_dma semaphore(%arg18 : memref<!tpu.dma_semaphore, #tpu.memory_space<semaphore_mem>>) src(%dma_wait3A_294 : memref<100000x768xf32, #tpu.memory_space<hbm>>) dst(%arg14 : memref<32x768xf32, #tpu.memory_space<vmem>>)
      %add3A_295 = arith.constant 1 : i32
      %add3A_296 = arith.addi %mul3A_287, %add3A_295 : i32
      %dma_start3A_297 = arith.constant 0 : i32
      %dma_start3A_298 = tpu.memref_slice %arg13[%add3A_296, %dma_start3A_297] : memref<20x32xi32, #tpu.memory_space<vmem>> -> memref<1x32xi32, #tpu.memory_space<vmem>>
      %dma_start3A_299 = tpu.memref_squeeze %dma_start3A_298 : memref<1x32xi32, #tpu.memory_space<vmem>> -> memref<32xi32, #tpu.memory_space<vmem>>
      %dma_start3A_300 = arith.constant 0 : i32
      %dma_start3A_301 = arith.constant 0 : i32
      %dma_start3A_302 = tpu.memref_slice %arg8[%dma_start3A_300, %dma_start3A_301] : memref<100000x768xf32, #tpu.memory_space<hbm>> -> memref<100000x768xf32, #tpu.memory_space<hbm>>
      tpu.enqueue_indirect_dma source(%dma_start3A_302 : memref<100000x768xf32, #tpu.memory_space<hbm>>) target(%arg15 : memref<32x768xf32, #tpu.memory_space<vmem>>) offsets(%dma_start3A_299 : memref<32xi32, #tpu.memory_space<vmem>>) semaphore(%arg19 : memref<!tpu.dma_semaphore, #tpu.memory_space<semaphore_mem>>)
      %mul3A_303 = arith.constant 32 : i32
      %mul3A_304 = arith.muli %mul3A_287, %mul3A_303 : i32
      %add3A_305 = arith.addi %mul3A_2, %mul3A_304 : i32
      %dma_start3A_306 = arith.constant 768 : i32
      %dma_start3A_307 = tpu.memref_slice %arg12[%add3A_305, %dma_start3A_306] : memref<20480x2304xf32, #tpu.memory_space<hbm>> -> memref<32x768xf32, #tpu.memory_space<hbm>>
      %dma_start3A_308 = arith.constant 768 : i32
      %dma_start3A_309 = tpu.memref_slice %arg12[%add3A_305, %dma_start3A_308] : memref<20480x2304xf32, #tpu.memory_space<hbm>> -> memref<32x768xf32, #tpu.memory_space<hbm>>
      tpu.enqueue_dma source(%arg14 : memref<32x768xf32, #tpu.memory_space<vmem>>) target(%dma_start3A_309 : memref<32x768xf32, #tpu.memory_space<hbm>>) target_semaphore(%arg20 : memref<!tpu.dma_semaphore, #tpu.memory_space<semaphore_mem>>)
      %dma_wait3A_310 = arith.constant 0 : i32
      %dma_wait3A_311 = arith.constant 0 : i32
      %dma_wait3A_312 = tpu.memref_slice %arg13[%dma_wait3A_310, %dma_wait3A_311] : memref<20x32xi32, #tpu.memory_space<vmem>> -> memref<1x32xi32, #tpu.memory_space<vmem>>
      %dma_wait3A_313 = tpu.memref_squeeze %dma_wait3A_312 : memref<1x32xi32, #tpu.memory_space<vmem>> -> memref<32xi32, #tpu.memory_space<vmem>>
      %dma_wait3A_314 = arith.constant 0 : i32
      %dma_wait3A_315 = arith.constant 0 : i32
      %dma_wait3A_316 = tpu.memref_slice %arg8[%dma_wait3A_314, %dma_wait3A_315] : memref<100000x768xf32, #tpu.memory_space<hbm>> -> memref<100000x768xf32, #tpu.memory_space<hbm>>
      tpu.wait_indirect_dma semaphore(%arg19 : memref<!tpu.dma_semaphore, #tpu.memory_space<semaphore_mem>>) src(%dma_wait3A_316 : memref<100000x768xf32, #tpu.memory_space<hbm>>) dst(%arg15 : memref<32x768xf32, #tpu.memory_space<vmem>>)
      %add3A_317 = arith.constant 0 : i32
      %add3A_318 = arith.addi %mul3A_2, %add3A_317 : i32
      %dma_wait3A_319 = arith.constant 768 : i32
      %dma_wait3A_320 = tpu.memref_slice %arg12[%add3A_318, %dma_wait3A_319] : memref<20480x2304xf32, #tpu.memory_space<hbm>> -> memref<32x768xf32, #tpu.memory_space<hbm>>
      %dma_wait3A_321 = arith.constant 768 : i32
      %dma_wait3A_322 = tpu.memref_slice %arg12[%add3A_318, %dma_wait3A_321] : memref<20480x2304xf32, #tpu.memory_space<hbm>> -> memref<32x768xf32, #tpu.memory_space<hbm>>
      tpu.wait_dma2 semaphore(%arg20 : memref<!tpu.dma_semaphore, #tpu.memory_space<semaphore_mem>>) src(%arg14 : memref<32x768xf32, #tpu.memory_space<vmem>>) dst(%dma_wait3A_322 : memref<32x768xf32, #tpu.memory_space<hbm>>)
      %add3A_323 = arith.constant 2 : i32
      %add3A_324 = arith.addi %mul3A_287, %add3A_323 : i32
      %dma_start3A_325 = arith.constant 0 : i32
      %dma_start3A_326 = tpu.memref_slice %arg13[%add3A_324, %dma_start3A_325] : memref<20x32xi32, #tpu.memory_space<vmem>> -> memref<1x32xi32, #tpu.memory_space<vmem>>
      %dma_start3A_327 = tpu.memref_squeeze %dma_start3A_326 : memref<1x32xi32, #tpu.memory_space<vmem>> -> memref<32xi32, #tpu.memory_space<vmem>>
      %dma_start3A_328 = arith.constant 0 : i32
      %dma_start3A_329 = arith.constant 0 : i32
      %dma_start3A_330 = tpu.memref_slice %arg8[%dma_start3A_328, %dma_start3A_329] : memref<100000x768xf32, #tpu.memory_space<hbm>> -> memref<100000x768xf32, #tpu.memory_space<hbm>>
      tpu.enqueue_indirect_dma source(%dma_start3A_330 : memref<100000x768xf32, #tpu.memory_space<hbm>>) target(%arg14 : memref<32x768xf32, #tpu.memory_space<vmem>>) offsets(%dma_start3A_327 : memref<32xi32, #tpu.memory_space<vmem>>) semaphore(%arg18 : memref<!tpu.dma_semaphore, #tpu.memory_space<semaphore_mem>>)
      %add3A_331 = arith.constant 1 : i32
      %add3A_332 = arith.addi %mul3A_287, %add3A_331 : i32
      %mul3A_333 = arith.constant 32 : i32
      %mul3A_334 = arith.muli %add3A_332, %mul3A_333 : i32
      %add3A_335 = arith.addi %mul3A_2, %mul3A_334 : i32
      %dma_start3A_336 = arith.constant 768 : i32
      %dma_start3A_337 = tpu.memref_slice %arg12[%add3A_335, %dma_start3A_336] : memref<20480x2304xf32, #tpu.memory_space<hbm>> -> memref<32x768xf32, #tpu.memory_space<hbm>>
      %dma_start3A_338 = arith.constant 768 : i32
      %dma_start3A_339 = tpu.memref_slice %arg12[%add3A_335, %dma_start3A_338] : memref<20480x2304xf32, #tpu.memory_space<hbm>> -> memref<32x768xf32, #tpu.memory_space<hbm>>
      tpu.enqueue_dma source(%arg15 : memref<32x768xf32, #tpu.memory_space<vmem>>) target(%dma_start3A_339 : memref<32x768xf32, #tpu.memory_space<hbm>>) target_semaphore(%arg21 : memref<!tpu.dma_semaphore, #tpu.memory_space<semaphore_mem>>)
      %add3A_340 = arith.constant 0 : i32
      %add3A_341 = arith.addi %mul3A_2, %add3A_340 : i32
      %dma_wait3A_342 = arith.constant 768 : i32
      %dma_wait3A_343 = tpu.memref_slice %arg12[%add3A_341, %dma_wait3A_342] : memref<20480x2304xf32, #tpu.memory_space<hbm>> -> memref<32x768xf32, #tpu.memory_space<hbm>>
      %dma_wait3A_344 = arith.constant 768 : i32
      %dma_wait3A_345 = tpu.memref_slice %arg12[%add3A_341, %dma_wait3A_344] : memref<20480x2304xf32, #tpu.memory_space<hbm>> -> memref<32x768xf32, #tpu.memory_space<hbm>>
      tpu.wait_dma2 semaphore(%arg21 : memref<!tpu.dma_semaphore, #tpu.memory_space<semaphore_mem>>) src(%arg15 : memref<32x768xf32, #tpu.memory_space<vmem>>) dst(%dma_wait3A_345 : memref<32x768xf32, #tpu.memory_space<hbm>>)
    }
    %scan3A_68 = arith.constant 9 : i32
    %dma_wait3A_69 = arith.constant 0 : i32
    %dma_wait3A_70 = arith.constant 0 : i32
    %dma_wait3A_71 = tpu.memref_slice %arg13[%dma_wait3A_69, %dma_wait3A_70] : memref<20x32xi32, #tpu.memory_space<vmem>> -> memref<1x32xi32, #tpu.memory_space<vmem>>
    %dma_wait3A_72 = tpu.memref_squeeze %dma_wait3A_71 : memref<1x32xi32, #tpu.memory_space<vmem>> -> memref<32xi32, #tpu.memory_space<vmem>>
    %dma_wait3A_73 = arith.constant 0 : i32
    %dma_wait3A_74 = arith.constant 0 : i32
    %dma_wait3A_75 = tpu.memref_slice %arg8[%dma_wait3A_73, %dma_wait3A_74] : memref<100000x768xf32, #tpu.memory_space<hbm>> -> memref<100000x768xf32, #tpu.memory_space<hbm>>
    tpu.wait_indirect_dma semaphore(%arg18 : memref<!tpu.dma_semaphore, #tpu.memory_space<semaphore_mem>>) src(%dma_wait3A_75 : memref<100000x768xf32, #tpu.memory_space<hbm>>) dst(%arg14 : memref<32x768xf32, #tpu.memory_space<vmem>>)
    %dma_start3A_76 = arith.constant 19 : i32
    %dma_start3A_77 = arith.constant 0 : i32
    %dma_start3A_78 = tpu.memref_slice %arg13[%dma_start3A_76, %dma_start3A_77] : memref<20x32xi32, #tpu.memory_space<vmem>> -> memref<1x32xi32, #tpu.memory_space<vmem>>
    %dma_start3A_79 = tpu.memref_squeeze %dma_start3A_78 : memref<1x32xi32, #tpu.memory_space<vmem>> -> memref<32xi32, #tpu.memory_space<vmem>>
    %dma_start3A_80 = arith.constant 0 : i32
    %dma_start3A_81 = arith.constant 0 : i32
    %dma_start3A_82 = tpu.memref_slice %arg8[%dma_start3A_80, %dma_start3A_81] : memref<100000x768xf32, #tpu.memory_space<hbm>> -> memref<100000x768xf32, #tpu.memory_space<hbm>>
    tpu.enqueue_indirect_dma source(%dma_start3A_82 : memref<100000x768xf32, #tpu.memory_space<hbm>>) target(%arg15 : memref<32x768xf32, #tpu.memory_space<vmem>>) offsets(%dma_start3A_79 : memref<32xi32, #tpu.memory_space<vmem>>) semaphore(%arg19 : memref<!tpu.dma_semaphore, #tpu.memory_space<semaphore_mem>>)
    %add3A_83 = arith.constant 576 : i32
    %add3A_84 = arith.addi %mul3A_2, %add3A_83 : i32
    %dma_start3A_85 = arith.constant 768 : i32
    %dma_start3A_86 = tpu.memref_slice %arg12[%add3A_84, %dma_start3A_85] : memref<20480x2304xf32, #tpu.memory_space<hbm>> -> memref<32x768xf32, #tpu.memory_space<hbm>>
    %dma_start3A_87 = arith.constant 768 : i32
    %dma_start3A_88 = tpu.memref_slice %arg12[%add3A_84, %dma_start3A_87] : memref<20480x2304xf32, #tpu.memory_space<hbm>> -> memref<32x768xf32, #tpu.memory_space<hbm>>
    tpu.enqueue_dma source(%arg14 : memref<32x768xf32, #tpu.memory_space<vmem>>) target(%dma_start3A_88 : memref<32x768xf32, #tpu.memory_space<hbm>>) target_semaphore(%arg20 : memref<!tpu.dma_semaphore, #tpu.memory_space<semaphore_mem>>)
    %dma_wait3A_89 = arith.constant 0 : i32
    %dma_wait3A_90 = arith.constant 0 : i32
    %dma_wait3A_91 = tpu.memref_slice %arg13[%dma_wait3A_89, %dma_wait3A_90] : memref<20x32xi32, #tpu.memory_space<vmem>> -> memref<1x32xi32, #tpu.memory_space<vmem>>
    %dma_wait3A_92 = tpu.memref_squeeze %dma_wait3A_91 : memref<1x32xi32, #tpu.memory_space<vmem>> -> memref<32xi32, #tpu.memory_space<vmem>>
    %dma_wait3A_93 = arith.constant 0 : i32
    %dma_wait3A_94 = arith.constant 0 : i32
    %dma_wait3A_95 = tpu.memref_slice %arg8[%dma_wait3A_93, %dma_wait3A_94] : memref<100000x768xf32, #tpu.memory_space<hbm>> -> memref<100000x768xf32, #tpu.memory_space<hbm>>
    tpu.wait_indirect_dma semaphore(%arg19 : memref<!tpu.dma_semaphore, #tpu.memory_space<semaphore_mem>>) src(%dma_wait3A_95 : memref<100000x768xf32, #tpu.memory_space<hbm>>) dst(%arg15 : memref<32x768xf32, #tpu.memory_space<vmem>>)
    %add3A_96 = arith.constant 0 : i32
    %add3A_97 = arith.addi %mul3A_2, %add3A_96 : i32
    %dma_wait3A_98 = arith.constant 768 : i32
    %dma_wait3A_99 = tpu.memref_slice %arg12[%add3A_97, %dma_wait3A_98] : memref<20480x2304xf32, #tpu.memory_space<hbm>> -> memref<32x768xf32, #tpu.memory_space<hbm>>
    %dma_wait3A_100 = arith.constant 768 : i32
    %dma_wait3A_101 = tpu.memref_slice %arg12[%add3A_97, %dma_wait3A_100] : memref<20480x2304xf32, #tpu.memory_space<hbm>> -> memref<32x768xf32, #tpu.memory_space<hbm>>
    tpu.wait_dma2 semaphore(%arg20 : memref<!tpu.dma_semaphore, #tpu.memory_space<semaphore_mem>>) src(%arg14 : memref<32x768xf32, #tpu.memory_space<vmem>>) dst(%dma_wait3A_101 : memref<32x768xf32, #tpu.memory_space<hbm>>)
    %add3A_102 = arith.constant 608 : i32
    %add3A_103 = arith.addi %mul3A_2, %add3A_102 : i32
    %dma_start3A_104 = arith.constant 768 : i32
    %dma_start3A_105 = tpu.memref_slice %arg12[%add3A_103, %dma_start3A_104] : memref<20480x2304xf32, #tpu.memory_space<hbm>> -> memref<32x768xf32, #tpu.memory_space<hbm>>
    %dma_start3A_106 = arith.constant 768 : i32
    %dma_start3A_107 = tpu.memref_slice %arg12[%add3A_103, %dma_start3A_106] : memref<20480x2304xf32, #tpu.memory_space<hbm>> -> memref<32x768xf32, #tpu.memory_space<hbm>>
    tpu.enqueue_dma source(%arg15 : memref<32x768xf32, #tpu.memory_space<vmem>>) target(%dma_start3A_107 : memref<32x768xf32, #tpu.memory_space<hbm>>) target_semaphore(%arg21 : memref<!tpu.dma_semaphore, #tpu.memory_space<semaphore_mem>>)
    %add3A_108 = arith.constant 0 : i32
    %add3A_109 = arith.addi %mul3A_2, %add3A_108 : i32
    %dma_wait3A_110 = arith.constant 768 : i32
    %dma_wait3A_111 = tpu.memref_slice %arg12[%add3A_109, %dma_wait3A_110] : memref<20480x2304xf32, #tpu.memory_space<hbm>> -> memref<32x768xf32, #tpu.memory_space<hbm>>
    %dma_wait3A_112 = arith.constant 768 : i32
    %dma_wait3A_113 = tpu.memref_slice %arg12[%add3A_109, %dma_wait3A_112] : memref<20480x2304xf32, #tpu.memory_space<hbm>> -> memref<32x768xf32, #tpu.memory_space<hbm>>
    tpu.wait_dma2 semaphore(%arg21 : memref<!tpu.dma_semaphore, #tpu.memory_space<semaphore_mem>>) src(%arg15 : memref<32x768xf32, #tpu.memory_space<vmem>>) dst(%dma_wait3A_113 : memref<32x768xf32, #tpu.memory_space<hbm>>)
    "tpu.region"() ({
      %run_scoped3A = tpu.sem_alloc : memref<!tpu.dma_semaphore, #tpu.memory_space<semaphore_mem>>
      %dma_start3A_285 = arith.constant 0 : i32
      %dma_start3A_286 = arith.constant 0 : i32
      %dma_start3A_287 = tpu.memref_slice %arg4[%add3A, %dma_start3A_285, %dma_start3A_286] : memref<32x20x32xi32, #tpu.memory_space<hbm>> -> memref<1x20x32xi32, #tpu.memory_space<hbm>>
      %dma_start3A_288 = tpu.memref_squeeze %dma_start3A_287 : memref<1x20x32xi32, #tpu.memory_space<hbm>> -> memref<20x32xi32, #tpu.memory_space<hbm>>
      %dma_start3A_289 = arith.constant 0 : i32
      %dma_start3A_290 = arith.constant 0 : i32
      %dma_start3A_291 = tpu.memref_slice %arg4[%add3A, %dma_start3A_289, %dma_start3A_290] : memref<32x20x32xi32, #tpu.memory_space<hbm>> -> memref<1x20x32xi32, #tpu.memory_space<hbm>>
      %dma_start3A_292 = tpu.memref_squeeze %dma_start3A_291 : memref<1x20x32xi32, #tpu.memory_space<hbm>> -> memref<20x32xi32, #tpu.memory_space<hbm>>
      tpu.enqueue_dma source(%dma_start3A_292 : memref<20x32xi32, #tpu.memory_space<hbm>>) target(%arg13 : memref<20x32xi32, #tpu.memory_space<vmem>>) target_semaphore(%run_scoped3A : memref<!tpu.dma_semaphore, #tpu.memory_space<semaphore_mem>>)
      %dma_wait3A_293 = arith.constant 0 : i32
      %dma_wait3A_294 = arith.constant 0 : i32
      %dma_wait3A_295 = tpu.memref_slice %arg4[%add3A, %dma_wait3A_293, %dma_wait3A_294] : memref<32x20x32xi32, #tpu.memory_space<hbm>> -> memref<1x20x32xi32, #tpu.memory_space<hbm>>
      %dma_wait3A_296 = tpu.memref_squeeze %dma_wait3A_295 : memref<1x20x32xi32, #tpu.memory_space<hbm>> -> memref<20x32xi32, #tpu.memory_space<hbm>>
      %dma_wait3A_297 = arith.constant 0 : i32
      %dma_wait3A_298 = arith.constant 0 : i32
      %dma_wait3A_299 = tpu.memref_slice %arg4[%add3A, %dma_wait3A_297, %dma_wait3A_298] : memref<32x20x32xi32, #tpu.memory_space<hbm>> -> memref<1x20x32xi32, #tpu.memory_space<hbm>>
      %dma_wait3A_300 = tpu.memref_squeeze %dma_wait3A_299 : memref<1x20x32xi32, #tpu.memory_space<hbm>> -> memref<20x32xi32, #tpu.memory_space<hbm>>
      tpu.wait_dma2 semaphore(%run_scoped3A : memref<!tpu.dma_semaphore, #tpu.memory_space<semaphore_mem>>) src(%dma_wait3A_300 : memref<20x32xi32, #tpu.memory_space<hbm>>) dst(%arg13 : memref<20x32xi32, #tpu.memory_space<vmem>>)
      tpu.yield
    }) : () -> ()
    %dma_start3A_114 = arith.constant 0 : i32
    %dma_start3A_115 = arith.constant 0 : i32
    %dma_start3A_116 = tpu.memref_slice %arg13[%dma_start3A_114, %dma_start3A_115] : memref<20x32xi32, #tpu.memory_space<vmem>> -> memref<1x32xi32, #tpu.memory_space<vmem>>
    %dma_start3A_117 = tpu.memref_squeeze %dma_start3A_116 : memref<1x32xi32, #tpu.memory_space<vmem>> -> memref<32xi32, #tpu.memory_space<vmem>>
    %dma_start3A_118 = arith.constant 0 : i32
    %dma_start3A_119 = arith.constant 0 : i32
    %dma_start3A_120 = tpu.memref_slice %arg9[%dma_start3A_118, %dma_start3A_119] : memref<1000x256xf32, #tpu.memory_space<hbm>> -> memref<1000x256xf32, #tpu.memory_space<hbm>>
    tpu.enqueue_indirect_dma source(%dma_start3A_120 : memref<1000x256xf32, #tpu.memory_space<hbm>>) target(%arg16 : memref<32x256xf32, #tpu.memory_space<vmem>>) offsets(%dma_start3A_117 : memref<32xi32, #tpu.memory_space<vmem>>) semaphore(%arg18 : memref<!tpu.dma_semaphore, #tpu.memory_space<semaphore_mem>>)
    %scan3A_121 = arith.constant 0 : i32
    %scan3A_122 = arith.constant 9 : i32
    %scan3A_123 = arith.addi %scan3A_121, %scan3A_122 : i32
    %scan3A_124 = arith.constant 1 : i32
    scf.for %scan3A_285 = %scan3A_121 to %scan3A_123 step %scan3A_124  : i32 {
      %mul3A_286 = arith.constant 2 : i32
      %mul3A_287 = arith.muli %mul3A_286, %scan3A_285 : i32
      %dma_wait3A_288 = arith.constant 0 : i32
      %dma_wait3A_289 = arith.constant 0 : i32
      %dma_wait3A_290 = tpu.memref_slice %arg13[%dma_wait3A_288, %dma_wait3A_289] : memref<20x32xi32, #tpu.memory_space<vmem>> -> memref<1x32xi32, #tpu.memory_space<vmem>>
      %dma_wait3A_291 = tpu.memref_squeeze %dma_wait3A_290 : memref<1x32xi32, #tpu.memory_space<vmem>> -> memref<32xi32, #tpu.memory_space<vmem>>
      %dma_wait3A_292 = arith.constant 0 : i32
      %dma_wait3A_293 = arith.constant 0 : i32
      %dma_wait3A_294 = tpu.memref_slice %arg9[%dma_wait3A_292, %dma_wait3A_293] : memref<1000x256xf32, #tpu.memory_space<hbm>> -> memref<1000x256xf32, #tpu.memory_space<hbm>>
      tpu.wait_indirect_dma semaphore(%arg18 : memref<!tpu.dma_semaphore, #tpu.memory_space<semaphore_mem>>) src(%dma_wait3A_294 : memref<1000x256xf32, #tpu.memory_space<hbm>>) dst(%arg16 : memref<32x256xf32, #tpu.memory_space<vmem>>)
      %add3A_295 = arith.constant 1 : i32
      %add3A_296 = arith.addi %mul3A_287, %add3A_295 : i32
      %dma_start3A_297 = arith.constant 0 : i32
      %dma_start3A_298 = tpu.memref_slice %arg13[%add3A_296, %dma_start3A_297] : memref<20x32xi32, #tpu.memory_space<vmem>> -> memref<1x32xi32, #tpu.memory_space<vmem>>
      %dma_start3A_299 = tpu.memref_squeeze %dma_start3A_298 : memref<1x32xi32, #tpu.memory_space<vmem>> -> memref<32xi32, #tpu.memory_space<vmem>>
      %dma_start3A_300 = arith.constant 0 : i32
      %dma_start3A_301 = arith.constant 0 : i32
      %dma_start3A_302 = tpu.memref_slice %arg9[%dma_start3A_300, %dma_start3A_301] : memref<1000x256xf32, #tpu.memory_space<hbm>> -> memref<1000x256xf32, #tpu.memory_space<hbm>>
      tpu.enqueue_indirect_dma source(%dma_start3A_302 : memref<1000x256xf32, #tpu.memory_space<hbm>>) target(%arg17 : memref<32x256xf32, #tpu.memory_space<vmem>>) offsets(%dma_start3A_299 : memref<32xi32, #tpu.memory_space<vmem>>) semaphore(%arg19 : memref<!tpu.dma_semaphore, #tpu.memory_space<semaphore_mem>>)
      %mul3A_303 = arith.constant 32 : i32
      %mul3A_304 = arith.muli %mul3A_287, %mul3A_303 : i32
      %add3A_305 = arith.addi %mul3A_2, %mul3A_304 : i32
      %dma_start3A_306 = arith.constant 1536 : i32
      %dma_start3A_307 = tpu.memref_slice %arg12[%add3A_305, %dma_start3A_306] : memref<20480x2304xf32, #tpu.memory_space<hbm>> -> memref<32x256xf32, #tpu.memory_space<hbm>>
      %dma_start3A_308 = arith.constant 1536 : i32
      %dma_start3A_309 = tpu.memref_slice %arg12[%add3A_305, %dma_start3A_308] : memref<20480x2304xf32, #tpu.memory_space<hbm>> -> memref<32x256xf32, #tpu.memory_space<hbm>>
      tpu.enqueue_dma source(%arg16 : memref<32x256xf32, #tpu.memory_space<vmem>>) target(%dma_start3A_309 : memref<32x256xf32, #tpu.memory_space<hbm>>) target_semaphore(%arg20 : memref<!tpu.dma_semaphore, #tpu.memory_space<semaphore_mem>>)
      %dma_wait3A_310 = arith.constant 0 : i32
      %dma_wait3A_311 = arith.constant 0 : i32
      %dma_wait3A_312 = tpu.memref_slice %arg13[%dma_wait3A_310, %dma_wait3A_311] : memref<20x32xi32, #tpu.memory_space<vmem>> -> memref<1x32xi32, #tpu.memory_space<vmem>>
      %dma_wait3A_313 = tpu.memref_squeeze %dma_wait3A_312 : memref<1x32xi32, #tpu.memory_space<vmem>> -> memref<32xi32, #tpu.memory_space<vmem>>
      %dma_wait3A_314 = arith.constant 0 : i32
      %dma_wait3A_315 = arith.constant 0 : i32
      %dma_wait3A_316 = tpu.memref_slice %arg9[%dma_wait3A_314, %dma_wait3A_315] : memref<1000x256xf32, #tpu.memory_space<hbm>> -> memref<1000x256xf32, #tpu.memory_space<hbm>>
      tpu.wait_indirect_dma semaphore(%arg19 : memref<!tpu.dma_semaphore, #tpu.memory_space<semaphore_mem>>) src(%dma_wait3A_316 : memref<1000x256xf32, #tpu.memory_space<hbm>>) dst(%arg17 : memref<32x256xf32, #tpu.memory_space<vmem>>)
      %add3A_317 = arith.constant 0 : i32
      %add3A_318 = arith.addi %mul3A_2, %add3A_317 : i32
      %dma_wait3A_319 = arith.constant 1536 : i32
      %dma_wait3A_320 = tpu.memref_slice %arg12[%add3A_318, %dma_wait3A_319] : memref<20480x2304xf32, #tpu.memory_space<hbm>> -> memref<32x256xf32, #tpu.memory_space<hbm>>
      %dma_wait3A_321 = arith.constant 1536 : i32
      %dma_wait3A_322 = tpu.memref_slice %arg12[%add3A_318, %dma_wait3A_321] : memref<20480x2304xf32, #tpu.memory_space<hbm>> -> memref<32x256xf32, #tpu.memory_space<hbm>>
      tpu.wait_dma2 semaphore(%arg20 : memref<!tpu.dma_semaphore, #tpu.memory_space<semaphore_mem>>) src(%arg16 : memref<32x256xf32, #tpu.memory_space<vmem>>) dst(%dma_wait3A_322 : memref<32x256xf32, #tpu.memory_space<hbm>>)
      %add3A_323 = arith.constant 2 : i32
      %add3A_324 = arith.addi %mul3A_287, %add3A_323 : i32
      %dma_start3A_325 = arith.constant 0 : i32
      %dma_start3A_326 = tpu.memref_slice %arg13[%add3A_324, %dma_start3A_325] : memref<20x32xi32, #tpu.memory_space<vmem>> -> memref<1x32xi32, #tpu.memory_space<vmem>>
      %dma_start3A_327 = tpu.memref_squeeze %dma_start3A_326 : memref<1x32xi32, #tpu.memory_space<vmem>> -> memref<32xi32, #tpu.memory_space<vmem>>
      %dma_start3A_328 = arith.constant 0 : i32
      %dma_start3A_329 = arith.constant 0 : i32
      %dma_start3A_330 = tpu.memref_slice %arg9[%dma_start3A_328, %dma_start3A_329] : memref<1000x256xf32, #tpu.memory_space<hbm>> -> memref<1000x256xf32, #tpu.memory_space<hbm>>
      tpu.enqueue_indirect_dma source(%dma_start3A_330 : memref<1000x256xf32, #tpu.memory_space<hbm>>) target(%arg16 : memref<32x256xf32, #tpu.memory_space<vmem>>) offsets(%dma_start3A_327 : memref<32xi32, #tpu.memory_space<vmem>>) semaphore(%arg18 : memref<!tpu.dma_semaphore, #tpu.memory_space<semaphore_mem>>)
      %add3A_331 = arith.constant 1 : i32
      %add3A_332 = arith.addi %mul3A_287, %add3A_331 : i32
      %mul3A_333 = arith.constant 32 : i32
      %mul3A_334 = arith.muli %add3A_332, %mul3A_333 : i32
      %add3A_335 = arith.addi %mul3A_2, %mul3A_334 : i32
      %dma_start3A_336 = arith.constant 1536 : i32
      %dma_start3A_337 = tpu.memref_slice %arg12[%add3A_335, %dma_start3A_336] : memref<20480x2304xf32, #tpu.memory_space<hbm>> -> memref<32x256xf32, #tpu.memory_space<hbm>>
      %dma_start3A_338 = arith.constant 1536 : i32
      %dma_start3A_339 = tpu.memref_slice %arg12[%add3A_335, %dma_start3A_338] : memref<20480x2304xf32, #tpu.memory_space<hbm>> -> memref<32x256xf32, #tpu.memory_space<hbm>>
      tpu.enqueue_dma source(%arg17 : memref<32x256xf32, #tpu.memory_space<vmem>>) target(%dma_start3A_339 : memref<32x256xf32, #tpu.memory_space<hbm>>) target_semaphore(%arg21 : memref<!tpu.dma_semaphore, #tpu.memory_space<semaphore_mem>>)
      %add3A_340 = arith.constant 0 : i32
      %add3A_341 = arith.addi %mul3A_2, %add3A_340 : i32
      %dma_wait3A_342 = arith.constant 1536 : i32
      %dma_wait3A_343 = tpu.memref_slice %arg12[%add3A_341, %dma_wait3A_342] : memref<20480x2304xf32, #tpu.memory_space<hbm>> -> memref<32x256xf32, #tpu.memory_space<hbm>>
      %dma_wait3A_344 = arith.constant 1536 : i32
      %dma_wait3A_345 = tpu.memref_slice %arg12[%add3A_341, %dma_wait3A_344] : memref<20480x2304xf32, #tpu.memory_space<hbm>> -> memref<32x256xf32, #tpu.memory_space<hbm>>
      tpu.wait_dma2 semaphore(%arg21 : memref<!tpu.dma_semaphore, #tpu.memory_space<semaphore_mem>>) src(%arg17 : memref<32x256xf32, #tpu.memory_space<vmem>>) dst(%dma_wait3A_345 : memref<32x256xf32, #tpu.memory_space<hbm>>)
    }
    %scan3A_125 = arith.constant 9 : i32
    %dma_wait3A_126 = arith.constant 0 : i32
    %dma_wait3A_127 = arith.constant 0 : i32
    %dma_wait3A_128 = tpu.memref_slice %arg13[%dma_wait3A_126, %dma_wait3A_127] : memref<20x32xi32, #tpu.memory_space<vmem>> -> memref<1x32xi32, #tpu.memory_space<vmem>>
    %dma_wait3A_129 = tpu.memref_squeeze %dma_wait3A_128 : memref<1x32xi32, #tpu.memory_space<vmem>> -> memref<32xi32, #tpu.memory_space<vmem>>
    %dma_wait3A_130 = arith.constant 0 : i32
    %dma_wait3A_131 = arith.constant 0 : i32
    %dma_wait3A_132 = tpu.memref_slice %arg9[%dma_wait3A_130, %dma_wait3A_131] : memref<1000x256xf32, #tpu.memory_space<hbm>> -> memref<1000x256xf32, #tpu.memory_space<hbm>>
    tpu.wait_indirect_dma semaphore(%arg18 : memref<!tpu.dma_semaphore, #tpu.memory_space<semaphore_mem>>) src(%dma_wait3A_132 : memref<1000x256xf32, #tpu.memory_space<hbm>>) dst(%arg16 : memref<32x256xf32, #tpu.memory_space<vmem>>)
    %dma_start3A_133 = arith.constant 19 : i32
    %dma_start3A_134 = arith.constant 0 : i32
    %dma_start3A_135 = tpu.memref_slice %arg13[%dma_start3A_133, %dma_start3A_134] : memref<20x32xi32, #tpu.memory_space<vmem>> -> memref<1x32xi32, #tpu.memory_space<vmem>>
    %dma_start3A_136 = tpu.memref_squeeze %dma_start3A_135 : memref<1x32xi32, #tpu.memory_space<vmem>> -> memref<32xi32, #tpu.memory_space<vmem>>
    %dma_start3A_137 = arith.constant 0 : i32
    %dma_start3A_138 = arith.constant 0 : i32
    %dma_start3A_139 = tpu.memref_slice %arg9[%dma_start3A_137, %dma_start3A_138] : memref<1000x256xf32, #tpu.memory_space<hbm>> -> memref<1000x256xf32, #tpu.memory_space<hbm>>
    tpu.enqueue_indirect_dma source(%dma_start3A_139 : memref<1000x256xf32, #tpu.memory_space<hbm>>) target(%arg17 : memref<32x256xf32, #tpu.memory_space<vmem>>) offsets(%dma_start3A_136 : memref<32xi32, #tpu.memory_space<vmem>>) semaphore(%arg19 : memref<!tpu.dma_semaphore, #tpu.memory_space<semaphore_mem>>)
    %add3A_140 = arith.constant 576 : i32
    %add3A_141 = arith.addi %mul3A_2, %add3A_140 : i32
    %dma_start3A_142 = arith.constant 1536 : i32
    %dma_start3A_143 = tpu.memref_slice %arg12[%add3A_141, %dma_start3A_142] : memref<20480x2304xf32, #tpu.memory_space<hbm>> -> memref<32x256xf32, #tpu.memory_space<hbm>>
    %dma_start3A_144 = arith.constant 1536 : i32
    %dma_start3A_145 = tpu.memref_slice %arg12[%add3A_141, %dma_start3A_144] : memref<20480x2304xf32, #tpu.memory_space<hbm>> -> memref<32x256xf32, #tpu.memory_space<hbm>>
    tpu.enqueue_dma source(%arg16 : memref<32x256xf32, #tpu.memory_space<vmem>>) target(%dma_start3A_145 : memref<32x256xf32, #tpu.memory_space<hbm>>) target_semaphore(%arg20 : memref<!tpu.dma_semaphore, #tpu.memory_space<semaphore_mem>>)
    %dma_wait3A_146 = arith.constant 0 : i32
    %dma_wait3A_147 = arith.constant 0 : i32
    %dma_wait3A_148 = tpu.memref_slice %arg13[%dma_wait3A_146, %dma_wait3A_147] : memref<20x32xi32, #tpu.memory_space<vmem>> -> memref<1x32xi32, #tpu.memory_space<vmem>>
    %dma_wait3A_149 = tpu.memref_squeeze %dma_wait3A_148 : memref<1x32xi32, #tpu.memory_space<vmem>> -> memref<32xi32, #tpu.memory_space<vmem>>
    %dma_wait3A_150 = arith.constant 0 : i32
    %dma_wait3A_151 = arith.constant 0 : i32
    %dma_wait3A_152 = tpu.memref_slice %arg9[%dma_wait3A_150, %dma_wait3A_151] : memref<1000x256xf32, #tpu.memory_space<hbm>> -> memref<1000x256xf32, #tpu.memory_space<hbm>>
    tpu.wait_indirect_dma semaphore(%arg19 : memref<!tpu.dma_semaphore, #tpu.memory_space<semaphore_mem>>) src(%dma_wait3A_152 : memref<1000x256xf32, #tpu.memory_space<hbm>>) dst(%arg17 : memref<32x256xf32, #tpu.memory_space<vmem>>)
    %add3A_153 = arith.constant 0 : i32
    %add3A_154 = arith.addi %mul3A_2, %add3A_153 : i32
    %dma_wait3A_155 = arith.constant 1536 : i32
    %dma_wait3A_156 = tpu.memref_slice %arg12[%add3A_154, %dma_wait3A_155] : memref<20480x2304xf32, #tpu.memory_space<hbm>> -> memref<32x256xf32, #tpu.memory_space<hbm>>
    %dma_wait3A_157 = arith.constant 1536 : i32
    %dma_wait3A_158 = tpu.memref_slice %arg12[%add3A_154, %dma_wait3A_157] : memref<20480x2304xf32, #tpu.memory_space<hbm>> -> memref<32x256xf32, #tpu.memory_space<hbm>>
    tpu.wait_dma2 semaphore(%arg20 : memref<!tpu.dma_semaphore, #tpu.memory_space<semaphore_mem>>) src(%arg16 : memref<32x256xf32, #tpu.memory_space<vmem>>) dst(%dma_wait3A_158 : memref<32x256xf32, #tpu.memory_space<hbm>>)
    %add3A_159 = arith.constant 608 : i32
    %add3A_160 = arith.addi %mul3A_2, %add3A_159 : i32
    %dma_start3A_161 = arith.constant 1536 : i32
    %dma_start3A_162 = tpu.memref_slice %arg12[%add3A_160, %dma_start3A_161] : memref<20480x2304xf32, #tpu.memory_space<hbm>> -> memref<32x256xf32, #tpu.memory_space<hbm>>
    %dma_start3A_163 = arith.constant 1536 : i32
    %dma_start3A_164 = tpu.memref_slice %arg12[%add3A_160, %dma_start3A_163] : memref<20480x2304xf32, #tpu.memory_space<hbm>> -> memref<32x256xf32, #tpu.memory_space<hbm>>
    tpu.enqueue_dma source(%arg17 : memref<32x256xf32, #tpu.memory_space<vmem>>) target(%dma_start3A_164 : memref<32x256xf32, #tpu.memory_space<hbm>>) target_semaphore(%arg21 : memref<!tpu.dma_semaphore, #tpu.memory_space<semaphore_mem>>)
    %add3A_165 = arith.constant 0 : i32
    %add3A_166 = arith.addi %mul3A_2, %add3A_165 : i32
    %dma_wait3A_167 = arith.constant 1536 : i32
    %dma_wait3A_168 = tpu.memref_slice %arg12[%add3A_166, %dma_wait3A_167] : memref<20480x2304xf32, #tpu.memory_space<hbm>> -> memref<32x256xf32, #tpu.memory_space<hbm>>
    %dma_wait3A_169 = arith.constant 1536 : i32
    %dma_wait3A_170 = tpu.memref_slice %arg12[%add3A_166, %dma_wait3A_169] : memref<20480x2304xf32, #tpu.memory_space<hbm>> -> memref<32x256xf32, #tpu.memory_space<hbm>>
    tpu.wait_dma2 semaphore(%arg21 : memref<!tpu.dma_semaphore, #tpu.memory_space<semaphore_mem>>) src(%arg17 : memref<32x256xf32, #tpu.memory_space<vmem>>) dst(%dma_wait3A_170 : memref<32x256xf32, #tpu.memory_space<hbm>>)
    "tpu.region"() ({
      %run_scoped3A = tpu.sem_alloc : memref<!tpu.dma_semaphore, #tpu.memory_space<semaphore_mem>>
      %dma_start3A_285 = arith.constant 0 : i32
      %dma_start3A_286 = arith.constant 0 : i32
      %dma_start3A_287 = tpu.memref_slice %arg5[%add3A, %dma_start3A_285, %dma_start3A_286] : memref<32x20x32xi32, #tpu.memory_space<hbm>> -> memref<1x20x32xi32, #tpu.memory_space<hbm>>
      %dma_start3A_288 = tpu.memref_squeeze %dma_start3A_287 : memref<1x20x32xi32, #tpu.memory_space<hbm>> -> memref<20x32xi32, #tpu.memory_space<hbm>>
      %dma_start3A_289 = arith.constant 0 : i32
      %dma_start3A_290 = arith.constant 0 : i32
      %dma_start3A_291 = tpu.memref_slice %arg5[%add3A, %dma_start3A_289, %dma_start3A_290] : memref<32x20x32xi32, #tpu.memory_space<hbm>> -> memref<1x20x32xi32, #tpu.memory_space<hbm>>
      %dma_start3A_292 = tpu.memref_squeeze %dma_start3A_291 : memref<1x20x32xi32, #tpu.memory_space<hbm>> -> memref<20x32xi32, #tpu.memory_space<hbm>>
      tpu.enqueue_dma source(%dma_start3A_292 : memref<20x32xi32, #tpu.memory_space<hbm>>) target(%arg13 : memref<20x32xi32, #tpu.memory_space<vmem>>) target_semaphore(%run_scoped3A : memref<!tpu.dma_semaphore, #tpu.memory_space<semaphore_mem>>)
      %dma_wait3A_293 = arith.constant 0 : i32
      %dma_wait3A_294 = arith.constant 0 : i32
      %dma_wait3A_295 = tpu.memref_slice %arg5[%add3A, %dma_wait3A_293, %dma_wait3A_294] : memref<32x20x32xi32, #tpu.memory_space<hbm>> -> memref<1x20x32xi32, #tpu.memory_space<hbm>>
      %dma_wait3A_296 = tpu.memref_squeeze %dma_wait3A_295 : memref<1x20x32xi32, #tpu.memory_space<hbm>> -> memref<20x32xi32, #tpu.memory_space<hbm>>
      %dma_wait3A_297 = arith.constant 0 : i32
      %dma_wait3A_298 = arith.constant 0 : i32
      %dma_wait3A_299 = tpu.memref_slice %arg5[%add3A, %dma_wait3A_297, %dma_wait3A_298] : memref<32x20x32xi32, #tpu.memory_space<hbm>> -> memref<1x20x32xi32, #tpu.memory_space<hbm>>
      %dma_wait3A_300 = tpu.memref_squeeze %dma_wait3A_299 : memref<1x20x32xi32, #tpu.memory_space<hbm>> -> memref<20x32xi32, #tpu.memory_space<hbm>>
      tpu.wait_dma2 semaphore(%run_scoped3A : memref<!tpu.dma_semaphore, #tpu.memory_space<semaphore_mem>>) src(%dma_wait3A_300 : memref<20x32xi32, #tpu.memory_space<hbm>>) dst(%arg13 : memref<20x32xi32, #tpu.memory_space<vmem>>)
      tpu.yield
    }) : () -> ()
    %dma_start3A_171 = arith.constant 0 : i32
    %dma_start3A_172 = arith.constant 0 : i32
    %dma_start3A_173 = tpu.memref_slice %arg13[%dma_start3A_171, %dma_start3A_172] : memref<20x32xi32, #tpu.memory_space<vmem>> -> memref<1x32xi32, #tpu.memory_space<vmem>>
    %dma_start3A_174 = tpu.memref_squeeze %dma_start3A_173 : memref<1x32xi32, #tpu.memory_space<vmem>> -> memref<32xi32, #tpu.memory_space<vmem>>
    %dma_start3A_175 = arith.constant 0 : i32
    %dma_start3A_176 = arith.constant 0 : i32
    %dma_start3A_177 = tpu.memref_slice %arg10[%dma_start3A_175, %dma_start3A_176] : memref<1000x256xf32, #tpu.memory_space<hbm>> -> memref<1000x256xf32, #tpu.memory_space<hbm>>
    tpu.enqueue_indirect_dma source(%dma_start3A_177 : memref<1000x256xf32, #tpu.memory_space<hbm>>) target(%arg16 : memref<32x256xf32, #tpu.memory_space<vmem>>) offsets(%dma_start3A_174 : memref<32xi32, #tpu.memory_space<vmem>>) semaphore(%arg18 : memref<!tpu.dma_semaphore, #tpu.memory_space<semaphore_mem>>)
    %scan3A_178 = arith.constant 0 : i32
    %scan3A_179 = arith.constant 9 : i32
    %scan3A_180 = arith.addi %scan3A_178, %scan3A_179 : i32
    %scan3A_181 = arith.constant 1 : i32
    scf.for %scan3A_285 = %scan3A_178 to %scan3A_180 step %scan3A_181  : i32 {
      %mul3A_286 = arith.constant 2 : i32
      %mul3A_287 = arith.muli %mul3A_286, %scan3A_285 : i32
      %dma_wait3A_288 = arith.constant 0 : i32
      %dma_wait3A_289 = arith.constant 0 : i32
      %dma_wait3A_290 = tpu.memref_slice %arg13[%dma_wait3A_288, %dma_wait3A_289] : memref<20x32xi32, #tpu.memory_space<vmem>> -> memref<1x32xi32, #tpu.memory_space<vmem>>
      %dma_wait3A_291 = tpu.memref_squeeze %dma_wait3A_290 : memref<1x32xi32, #tpu.memory_space<vmem>> -> memref<32xi32, #tpu.memory_space<vmem>>
      %dma_wait3A_292 = arith.constant 0 : i32
      %dma_wait3A_293 = arith.constant 0 : i32
      %dma_wait3A_294 = tpu.memref_slice %arg10[%dma_wait3A_292, %dma_wait3A_293] : memref<1000x256xf32, #tpu.memory_space<hbm>> -> memref<1000x256xf32, #tpu.memory_space<hbm>>
      tpu.wait_indirect_dma semaphore(%arg18 : memref<!tpu.dma_semaphore, #tpu.memory_space<semaphore_mem>>) src(%dma_wait3A_294 : memref<1000x256xf32, #tpu.memory_space<hbm>>) dst(%arg16 : memref<32x256xf32, #tpu.memory_space<vmem>>)
      %add3A_295 = arith.constant 1 : i32
      %add3A_296 = arith.addi %mul3A_287, %add3A_295 : i32
      %dma_start3A_297 = arith.constant 0 : i32
      %dma_start3A_298 = tpu.memref_slice %arg13[%add3A_296, %dma_start3A_297] : memref<20x32xi32, #tpu.memory_space<vmem>> -> memref<1x32xi32, #tpu.memory_space<vmem>>
      %dma_start3A_299 = tpu.memref_squeeze %dma_start3A_298 : memref<1x32xi32, #tpu.memory_space<vmem>> -> memref<32xi32, #tpu.memory_space<vmem>>
      %dma_start3A_300 = arith.constant 0 : i32
      %dma_start3A_301 = arith.constant 0 : i32
      %dma_start3A_302 = tpu.memref_slice %arg10[%dma_start3A_300, %dma_start3A_301] : memref<1000x256xf32, #tpu.memory_space<hbm>> -> memref<1000x256xf32, #tpu.memory_space<hbm>>
      tpu.enqueue_indirect_dma source(%dma_start3A_302 : memref<1000x256xf32, #tpu.memory_space<hbm>>) target(%arg17 : memref<32x256xf32, #tpu.memory_space<vmem>>) offsets(%dma_start3A_299 : memref<32xi32, #tpu.memory_space<vmem>>) semaphore(%arg19 : memref<!tpu.dma_semaphore, #tpu.memory_space<semaphore_mem>>)
      %mul3A_303 = arith.constant 32 : i32
      %mul3A_304 = arith.muli %mul3A_287, %mul3A_303 : i32
      %add3A_305 = arith.addi %mul3A_2, %mul3A_304 : i32
      %dma_start3A_306 = arith.constant 1792 : i32
      %dma_start3A_307 = tpu.memref_slice %arg12[%add3A_305, %dma_start3A_306] : memref<20480x2304xf32, #tpu.memory_space<hbm>> -> memref<32x256xf32, #tpu.memory_space<hbm>>
      %dma_start3A_308 = arith.constant 1792 : i32
      %dma_start3A_309 = tpu.memref_slice %arg12[%add3A_305, %dma_start3A_308] : memref<20480x2304xf32, #tpu.memory_space<hbm>> -> memref<32x256xf32, #tpu.memory_space<hbm>>
      tpu.enqueue_dma source(%arg16 : memref<32x256xf32, #tpu.memory_space<vmem>>) target(%dma_start3A_309 : memref<32x256xf32, #tpu.memory_space<hbm>>) target_semaphore(%arg20 : memref<!tpu.dma_semaphore, #tpu.memory_space<semaphore_mem>>)
      %dma_wait3A_310 = arith.constant 0 : i32
      %dma_wait3A_311 = arith.constant 0 : i32
      %dma_wait3A_312 = tpu.memref_slice %arg13[%dma_wait3A_310, %dma_wait3A_311] : memref<20x32xi32, #tpu.memory_space<vmem>> -> memref<1x32xi32, #tpu.memory_space<vmem>>
      %dma_wait3A_313 = tpu.memref_squeeze %dma_wait3A_312 : memref<1x32xi32, #tpu.memory_space<vmem>> -> memref<32xi32, #tpu.memory_space<vmem>>
      %dma_wait3A_314 = arith.constant 0 : i32
      %dma_wait3A_315 = arith.constant 0 : i32
      %dma_wait3A_316 = tpu.memref_slice %arg10[%dma_wait3A_314, %dma_wait3A_315] : memref<1000x256xf32, #tpu.memory_space<hbm>> -> memref<1000x256xf32, #tpu.memory_space<hbm>>
      tpu.wait_indirect_dma semaphore(%arg19 : memref<!tpu.dma_semaphore, #tpu.memory_space<semaphore_mem>>) src(%dma_wait3A_316 : memref<1000x256xf32, #tpu.memory_space<hbm>>) dst(%arg17 : memref<32x256xf32, #tpu.memory_space<vmem>>)
      %add3A_317 = arith.constant 0 : i32
      %add3A_318 = arith.addi %mul3A_2, %add3A_317 : i32
      %dma_wait3A_319 = arith.constant 1792 : i32
      %dma_wait3A_320 = tpu.memref_slice %arg12[%add3A_318, %dma_wait3A_319] : memref<20480x2304xf32, #tpu.memory_space<hbm>> -> memref<32x256xf32, #tpu.memory_space<hbm>>
      %dma_wait3A_321 = arith.constant 1792 : i32
      %dma_wait3A_322 = tpu.memref_slice %arg12[%add3A_318, %dma_wait3A_321] : memref<20480x2304xf32, #tpu.memory_space<hbm>> -> memref<32x256xf32, #tpu.memory_space<hbm>>
      tpu.wait_dma2 semaphore(%arg20 : memref<!tpu.dma_semaphore, #tpu.memory_space<semaphore_mem>>) src(%arg16 : memref<32x256xf32, #tpu.memory_space<vmem>>) dst(%dma_wait3A_322 : memref<32x256xf32, #tpu.memory_space<hbm>>)
      %add3A_323 = arith.constant 2 : i32
      %add3A_324 = arith.addi %mul3A_287, %add3A_323 : i32
      %dma_start3A_325 = arith.constant 0 : i32
      %dma_start3A_326 = tpu.memref_slice %arg13[%add3A_324, %dma_start3A_325] : memref<20x32xi32, #tpu.memory_space<vmem>> -> memref<1x32xi32, #tpu.memory_space<vmem>>
      %dma_start3A_327 = tpu.memref_squeeze %dma_start3A_326 : memref<1x32xi32, #tpu.memory_space<vmem>> -> memref<32xi32, #tpu.memory_space<vmem>>
      %dma_start3A_328 = arith.constant 0 : i32
      %dma_start3A_329 = arith.constant 0 : i32
      %dma_start3A_330 = tpu.memref_slice %arg10[%dma_start3A_328, %dma_start3A_329] : memref<1000x256xf32, #tpu.memory_space<hbm>> -> memref<1000x256xf32, #tpu.memory_space<hbm>>
      tpu.enqueue_indirect_dma source(%dma_start3A_330 : memref<1000x256xf32, #tpu.memory_space<hbm>>) target(%arg16 : memref<32x256xf32, #tpu.memory_space<vmem>>) offsets(%dma_start3A_327 : memref<32xi32, #tpu.memory_space<vmem>>) semaphore(%arg18 : memref<!tpu.dma_semaphore, #tpu.memory_space<semaphore_mem>>)
      %add3A_331 = arith.constant 1 : i32
      %add3A_332 = arith.addi %mul3A_287, %add3A_331 : i32
      %mul3A_333 = arith.constant 32 : i32
      %mul3A_334 = arith.muli %add3A_332, %mul3A_333 : i32
      %add3A_335 = arith.addi %mul3A_2, %mul3A_334 : i32
      %dma_start3A_336 = arith.constant 1792 : i32
      %dma_start3A_337 = tpu.memref_slice %arg12[%add3A_335, %dma_start3A_336] : memref<20480x2304xf32, #tpu.memory_space<hbm>> -> memref<32x256xf32, #tpu.memory_space<hbm>>
      %dma_start3A_338 = arith.constant 1792 : i32
      %dma_start3A_339 = tpu.memref_slice %arg12[%add3A_335, %dma_start3A_338] : memref<20480x2304xf32, #tpu.memory_space<hbm>> -> memref<32x256xf32, #tpu.memory_space<hbm>>
      tpu.enqueue_dma source(%arg17 : memref<32x256xf32, #tpu.memory_space<vmem>>) target(%dma_start3A_339 : memref<32x256xf32, #tpu.memory_space<hbm>>) target_semaphore(%arg21 : memref<!tpu.dma_semaphore, #tpu.memory_space<semaphore_mem>>)
      %add3A_340 = arith.constant 0 : i32
      %add3A_341 = arith.addi %mul3A_2, %add3A_340 : i32
      %dma_wait3A_342 = arith.constant 1792 : i32
      %dma_wait3A_343 = tpu.memref_slice %arg12[%add3A_341, %dma_wait3A_342] : memref<20480x2304xf32, #tpu.memory_space<hbm>> -> memref<32x256xf32, #tpu.memory_space<hbm>>
      %dma_wait3A_344 = arith.constant 1792 : i32
      %dma_wait3A_345 = tpu.memref_slice %arg12[%add3A_341, %dma_wait3A_344] : memref<20480x2304xf32, #tpu.memory_space<hbm>> -> memref<32x256xf32, #tpu.memory_space<hbm>>
      tpu.wait_dma2 semaphore(%arg21 : memref<!tpu.dma_semaphore, #tpu.memory_space<semaphore_mem>>) src(%arg17 : memref<32x256xf32, #tpu.memory_space<vmem>>) dst(%dma_wait3A_345 : memref<32x256xf32, #tpu.memory_space<hbm>>)
    }
    %scan3A_182 = arith.constant 9 : i32
    %dma_wait3A_183 = arith.constant 0 : i32
    %dma_wait3A_184 = arith.constant 0 : i32
    %dma_wait3A_185 = tpu.memref_slice %arg13[%dma_wait3A_183, %dma_wait3A_184] : memref<20x32xi32, #tpu.memory_space<vmem>> -> memref<1x32xi32, #tpu.memory_space<vmem>>
    %dma_wait3A_186 = tpu.memref_squeeze %dma_wait3A_185 : memref<1x32xi32, #tpu.memory_space<vmem>> -> memref<32xi32, #tpu.memory_space<vmem>>
    %dma_wait3A_187 = arith.constant 0 : i32
    %dma_wait3A_188 = arith.constant 0 : i32
    %dma_wait3A_189 = tpu.memref_slice %arg10[%dma_wait3A_187, %dma_wait3A_188] : memref<1000x256xf32, #tpu.memory_space<hbm>> -> memref<1000x256xf32, #tpu.memory_space<hbm>>
    tpu.wait_indirect_dma semaphore(%arg18 : memref<!tpu.dma_semaphore, #tpu.memory_space<semaphore_mem>>) src(%dma_wait3A_189 : memref<1000x256xf32, #tpu.memory_space<hbm>>) dst(%arg16 : memref<32x256xf32, #tpu.memory_space<vmem>>)
    %dma_start3A_190 = arith.constant 19 : i32
    %dma_start3A_191 = arith.constant 0 : i32
    %dma_start3A_192 = tpu.memref_slice %arg13[%dma_start3A_190, %dma_start3A_191] : memref<20x32xi32, #tpu.memory_space<vmem>> -> memref<1x32xi32, #tpu.memory_space<vmem>>
    %dma_start3A_193 = tpu.memref_squeeze %dma_start3A_192 : memref<1x32xi32, #tpu.memory_space<vmem>> -> memref<32xi32, #tpu.memory_space<vmem>>
    %dma_start3A_194 = arith.constant 0 : i32
    %dma_start3A_195 = arith.constant 0 : i32
    %dma_start3A_196 = tpu.memref_slice %arg10[%dma_start3A_194, %dma_start3A_195] : memref<1000x256xf32, #tpu.memory_space<hbm>> -> memref<1000x256xf32, #tpu.memory_space<hbm>>
    tpu.enqueue_indirect_dma source(%dma_start3A_196 : memref<1000x256xf32, #tpu.memory_space<hbm>>) target(%arg17 : memref<32x256xf32, #tpu.memory_space<vmem>>) offsets(%dma_start3A_193 : memref<32xi32, #tpu.memory_space<vmem>>) semaphore(%arg19 : memref<!tpu.dma_semaphore, #tpu.memory_space<semaphore_mem>>)
    %add3A_197 = arith.constant 576 : i32
    %add3A_198 = arith.addi %mul3A_2, %add3A_197 : i32
    %dma_start3A_199 = arith.constant 1792 : i32
    %dma_start3A_200 = tpu.memref_slice %arg12[%add3A_198, %dma_start3A_199] : memref<20480x2304xf32, #tpu.memory_space<hbm>> -> memref<32x256xf32, #tpu.memory_space<hbm>>
    %dma_start3A_201 = arith.constant 1792 : i32
    %dma_start3A_202 = tpu.memref_slice %arg12[%add3A_198, %dma_start3A_201] : memref<20480x2304xf32, #tpu.memory_space<hbm>> -> memref<32x256xf32, #tpu.memory_space<hbm>>
    tpu.enqueue_dma source(%arg16 : memref<32x256xf32, #tpu.memory_space<vmem>>) target(%dma_start3A_202 : memref<32x256xf32, #tpu.memory_space<hbm>>) target_semaphore(%arg20 : memref<!tpu.dma_semaphore, #tpu.memory_space<semaphore_mem>>)
    %dma_wait3A_203 = arith.constant 0 : i32
    %dma_wait3A_204 = arith.constant 0 : i32
    %dma_wait3A_205 = tpu.memref_slice %arg13[%dma_wait3A_203, %dma_wait3A_204] : memref<20x32xi32, #tpu.memory_space<vmem>> -> memref<1x32xi32, #tpu.memory_space<vmem>>
    %dma_wait3A_206 = tpu.memref_squeeze %dma_wait3A_205 : memref<1x32xi32, #tpu.memory_space<vmem>> -> memref<32xi32, #tpu.memory_space<vmem>>
    %dma_wait3A_207 = arith.constant 0 : i32
    %dma_wait3A_208 = arith.constant 0 : i32
    %dma_wait3A_209 = tpu.memref_slice %arg10[%dma_wait3A_207, %dma_wait3A_208] : memref<1000x256xf32, #tpu.memory_space<hbm>> -> memref<1000x256xf32, #tpu.memory_space<hbm>>
    tpu.wait_indirect_dma semaphore(%arg19 : memref<!tpu.dma_semaphore, #tpu.memory_space<semaphore_mem>>) src(%dma_wait3A_209 : memref<1000x256xf32, #tpu.memory_space<hbm>>) dst(%arg17 : memref<32x256xf32, #tpu.memory_space<vmem>>)
    %add3A_210 = arith.constant 0 : i32
    %add3A_211 = arith.addi %mul3A_2, %add3A_210 : i32
    %dma_wait3A_212 = arith.constant 1792 : i32
    %dma_wait3A_213 = tpu.memref_slice %arg12[%add3A_211, %dma_wait3A_212] : memref<20480x2304xf32, #tpu.memory_space<hbm>> -> memref<32x256xf32, #tpu.memory_space<hbm>>
    %dma_wait3A_214 = arith.constant 1792 : i32
    %dma_wait3A_215 = tpu.memref_slice %arg12[%add3A_211, %dma_wait3A_214] : memref<20480x2304xf32, #tpu.memory_space<hbm>> -> memref<32x256xf32, #tpu.memory_space<hbm>>
    tpu.wait_dma2 semaphore(%arg20 : memref<!tpu.dma_semaphore, #tpu.memory_space<semaphore_mem>>) src(%arg16 : memref<32x256xf32, #tpu.memory_space<vmem>>) dst(%dma_wait3A_215 : memref<32x256xf32, #tpu.memory_space<hbm>>)
    %add3A_216 = arith.constant 608 : i32
    %add3A_217 = arith.addi %mul3A_2, %add3A_216 : i32
    %dma_start3A_218 = arith.constant 1792 : i32
    %dma_start3A_219 = tpu.memref_slice %arg12[%add3A_217, %dma_start3A_218] : memref<20480x2304xf32, #tpu.memory_space<hbm>> -> memref<32x256xf32, #tpu.memory_space<hbm>>
    %dma_start3A_220 = arith.constant 1792 : i32
    %dma_start3A_221 = tpu.memref_slice %arg12[%add3A_217, %dma_start3A_220] : memref<20480x2304xf32, #tpu.memory_space<hbm>> -> memref<32x256xf32, #tpu.memory_space<hbm>>
    tpu.enqueue_dma source(%arg17 : memref<32x256xf32, #tpu.memory_space<vmem>>) target(%dma_start3A_221 : memref<32x256xf32, #tpu.memory_space<hbm>>) target_semaphore(%arg21 : memref<!tpu.dma_semaphore, #tpu.memory_space<semaphore_mem>>)
    %add3A_222 = arith.constant 0 : i32
    %add3A_223 = arith.addi %mul3A_2, %add3A_222 : i32
    %dma_wait3A_224 = arith.constant 1792 : i32
    %dma_wait3A_225 = tpu.memref_slice %arg12[%add3A_223, %dma_wait3A_224] : memref<20480x2304xf32, #tpu.memory_space<hbm>> -> memref<32x256xf32, #tpu.memory_space<hbm>>
    %dma_wait3A_226 = arith.constant 1792 : i32
    %dma_wait3A_227 = tpu.memref_slice %arg12[%add3A_223, %dma_wait3A_226] : memref<20480x2304xf32, #tpu.memory_space<hbm>> -> memref<32x256xf32, #tpu.memory_space<hbm>>
    tpu.wait_dma2 semaphore(%arg21 : memref<!tpu.dma_semaphore, #tpu.memory_space<semaphore_mem>>) src(%arg17 : memref<32x256xf32, #tpu.memory_space<vmem>>) dst(%dma_wait3A_227 : memref<32x256xf32, #tpu.memory_space<hbm>>)
    "tpu.region"() ({
      %run_scoped3A = tpu.sem_alloc : memref<!tpu.dma_semaphore, #tpu.memory_space<semaphore_mem>>
      %dma_start3A_285 = arith.constant 0 : i32
      %dma_start3A_286 = arith.constant 0 : i32
      %dma_start3A_287 = tpu.memref_slice %arg6[%add3A, %dma_start3A_285, %dma_start3A_286] : memref<32x20x32xi32, #tpu.memory_space<hbm>> -> memref<1x20x32xi32, #tpu.memory_space<hbm>>
      %dma_start3A_288 = tpu.memref_squeeze %dma_start3A_287 : memref<1x20x32xi32, #tpu.memory_space<hbm>> -> memref<20x32xi32, #tpu.memory_space<hbm>>
      %dma_start3A_289 = arith.constant 0 : i32
      %dma_start3A_290 = arith.constant 0 : i32
      %dma_start3A_291 = tpu.memref_slice %arg6[%add3A, %dma_start3A_289, %dma_start3A_290] : memref<32x20x32xi32, #tpu.memory_space<hbm>> -> memref<1x20x32xi32, #tpu.memory_space<hbm>>
      %dma_start3A_292 = tpu.memref_squeeze %dma_start3A_291 : memref<1x20x32xi32, #tpu.memory_space<hbm>> -> memref<20x32xi32, #tpu.memory_space<hbm>>
      tpu.enqueue_dma source(%dma_start3A_292 : memref<20x32xi32, #tpu.memory_space<hbm>>) target(%arg13 : memref<20x32xi32, #tpu.memory_space<vmem>>) target_semaphore(%run_scoped3A : memref<!tpu.dma_semaphore, #tpu.memory_space<semaphore_mem>>)
      %dma_wait3A_293 = arith.constant 0 : i32
      %dma_wait3A_294 = arith.constant 0 : i32
      %dma_wait3A_295 = tpu.memref_slice %arg6[%add3A, %dma_wait3A_293, %dma_wait3A_294] : memref<32x20x32xi32, #tpu.memory_space<hbm>> -> memref<1x20x32xi32, #tpu.memory_space<hbm>>
      %dma_wait3A_296 = tpu.memref_squeeze %dma_wait3A_295 : memref<1x20x32xi32, #tpu.memory_space<hbm>> -> memref<20x32xi32, #tpu.memory_space<hbm>>
      %dma_wait3A_297 = arith.constant 0 : i32
      %dma_wait3A_298 = arith.constant 0 : i32
      %dma_wait3A_299 = tpu.memref_slice %arg6[%add3A, %dma_wait3A_297, %dma_wait3A_298] : memref<32x20x32xi32, #tpu.memory_space<hbm>> -> memref<1x20x32xi32, #tpu.memory_space<hbm>>
      %dma_wait3A_300 = tpu.memref_squeeze %dma_wait3A_299 : memref<1x20x32xi32, #tpu.memory_space<hbm>> -> memref<20x32xi32, #tpu.memory_space<hbm>>
      tpu.wait_dma2 semaphore(%run_scoped3A : memref<!tpu.dma_semaphore, #tpu.memory_space<semaphore_mem>>) src(%dma_wait3A_300 : memref<20x32xi32, #tpu.memory_space<hbm>>) dst(%arg13 : memref<20x32xi32, #tpu.memory_space<vmem>>)
      tpu.yield
    }) : () -> ()
    %dma_start3A_228 = arith.constant 0 : i32
    %dma_start3A_229 = arith.constant 0 : i32
    %dma_start3A_230 = tpu.memref_slice %arg13[%dma_start3A_228, %dma_start3A_229] : memref<20x32xi32, #tpu.memory_space<vmem>> -> memref<1x32xi32, #tpu.memory_space<vmem>>
    %dma_start3A_231 = tpu.memref_squeeze %dma_start3A_230 : memref<1x32xi32, #tpu.memory_space<vmem>> -> memref<32xi32, #tpu.memory_space<vmem>>
    %dma_start3A_232 = arith.constant 0 : i32
    %dma_start3A_233 = arith.constant 0 : i32
    %dma_start3A_234 = tpu.memref_slice %arg11[%dma_start3A_232, %dma_start3A_233] : memref<1000x256xf32, #tpu.memory_space<hbm>> -> memref<1000x256xf32, #tpu.memory_space<hbm>>
    tpu.enqueue_indirect_dma source(%dma_start3A_234 : memref<1000x256xf32, #tpu.memory_space<hbm>>) target(%arg16 : memref<32x256xf32, #tpu.memory_space<vmem>>) offsets(%dma_start3A_231 : memref<32xi32, #tpu.memory_space<vmem>>) semaphore(%arg18 : memref<!tpu.dma_semaphore, #tpu.memory_space<semaphore_mem>>)
    %scan3A_235 = arith.constant 0 : i32
    %scan3A_236 = arith.constant 9 : i32
    %scan3A_237 = arith.addi %scan3A_235, %scan3A_236 : i32
    %scan3A_238 = arith.constant 1 : i32
    scf.for %scan3A_285 = %scan3A_235 to %scan3A_237 step %scan3A_238  : i32 {
      %mul3A_286 = arith.constant 2 : i32
      %mul3A_287 = arith.muli %mul3A_286, %scan3A_285 : i32
      %dma_wait3A_288 = arith.constant 0 : i32
      %dma_wait3A_289 = arith.constant 0 : i32
      %dma_wait3A_290 = tpu.memref_slice %arg13[%dma_wait3A_288, %dma_wait3A_289] : memref<20x32xi32, #tpu.memory_space<vmem>> -> memref<1x32xi32, #tpu.memory_space<vmem>>
      %dma_wait3A_291 = tpu.memref_squeeze %dma_wait3A_290 : memref<1x32xi32, #tpu.memory_space<vmem>> -> memref<32xi32, #tpu.memory_space<vmem>>
      %dma_wait3A_292 = arith.constant 0 : i32
      %dma_wait3A_293 = arith.constant 0 : i32
      %dma_wait3A_294 = tpu.memref_slice %arg11[%dma_wait3A_292, %dma_wait3A_293] : memref<1000x256xf32, #tpu.memory_space<hbm>> -> memref<1000x256xf32, #tpu.memory_space<hbm>>
      tpu.wait_indirect_dma semaphore(%arg18 : memref<!tpu.dma_semaphore, #tpu.memory_space<semaphore_mem>>) src(%dma_wait3A_294 : memref<1000x256xf32, #tpu.memory_space<hbm>>) dst(%arg16 : memref<32x256xf32, #tpu.memory_space<vmem>>)
      %add3A_295 = arith.constant 1 : i32
      %add3A_296 = arith.addi %mul3A_287, %add3A_295 : i32
      %dma_start3A_297 = arith.constant 0 : i32
      %dma_start3A_298 = tpu.memref_slice %arg13[%add3A_296, %dma_start3A_297] : memref<20x32xi32, #tpu.memory_space<vmem>> -> memref<1x32xi32, #tpu.memory_space<vmem>>
      %dma_start3A_299 = tpu.memref_squeeze %dma_start3A_298 : memref<1x32xi32, #tpu.memory_space<vmem>> -> memref<32xi32, #tpu.memory_space<vmem>>
      %dma_start3A_300 = arith.constant 0 : i32
      %dma_start3A_301 = arith.constant 0 : i32
      %dma_start3A_302 = tpu.memref_slice %arg11[%dma_start3A_300, %dma_start3A_301] : memref<1000x256xf32, #tpu.memory_space<hbm>> -> memref<1000x256xf32, #tpu.memory_space<hbm>>
      tpu.enqueue_indirect_dma source(%dma_start3A_302 : memref<1000x256xf32, #tpu.memory_space<hbm>>) target(%arg17 : memref<32x256xf32, #tpu.memory_space<vmem>>) offsets(%dma_start3A_299 : memref<32xi32, #tpu.memory_space<vmem>>) semaphore(%arg19 : memref<!tpu.dma_semaphore, #tpu.memory_space<semaphore_mem>>)
      %mul3A_303 = arith.constant 32 : i32
      %mul3A_304 = arith.muli %mul3A_287, %mul3A_303 : i32
      %add3A_305 = arith.addi %mul3A_2, %mul3A_304 : i32
      %dma_start3A_306 = arith.constant 2048 : i32
      %dma_start3A_307 = tpu.memref_slice %arg12[%add3A_305, %dma_start3A_306] : memref<20480x2304xf32, #tpu.memory_space<hbm>> -> memref<32x256xf32, #tpu.memory_space<hbm>>
      %dma_start3A_308 = arith.constant 2048 : i32
      %dma_start3A_309 = tpu.memref_slice %arg12[%add3A_305, %dma_start3A_308] : memref<20480x2304xf32, #tpu.memory_space<hbm>> -> memref<32x256xf32, #tpu.memory_space<hbm>>
      tpu.enqueue_dma source(%arg16 : memref<32x256xf32, #tpu.memory_space<vmem>>) target(%dma_start3A_309 : memref<32x256xf32, #tpu.memory_space<hbm>>) target_semaphore(%arg20 : memref<!tpu.dma_semaphore, #tpu.memory_space<semaphore_mem>>)
      %dma_wait3A_310 = arith.constant 0 : i32
      %dma_wait3A_311 = arith.constant 0 : i32
      %dma_wait3A_312 = tpu.memref_slice %arg13[%dma_wait3A_310, %dma_wait3A_311] : memref<20x32xi32, #tpu.memory_space<vmem>> -> memref<1x32xi32, #tpu.memory_space<vmem>>
      %dma_wait3A_313 = tpu.memref_squeeze %dma_wait3A_312 : memref<1x32xi32, #tpu.memory_space<vmem>> -> memref<32xi32, #tpu.memory_space<vmem>>
      %dma_wait3A_314 = arith.constant 0 : i32
      %dma_wait3A_315 = arith.constant 0 : i32
      %dma_wait3A_316 = tpu.memref_slice %arg11[%dma_wait3A_314, %dma_wait3A_315] : memref<1000x256xf32, #tpu.memory_space<hbm>> -> memref<1000x256xf32, #tpu.memory_space<hbm>>
      tpu.wait_indirect_dma semaphore(%arg19 : memref<!tpu.dma_semaphore, #tpu.memory_space<semaphore_mem>>) src(%dma_wait3A_316 : memref<1000x256xf32, #tpu.memory_space<hbm>>) dst(%arg17 : memref<32x256xf32, #tpu.memory_space<vmem>>)
      %add3A_317 = arith.constant 0 : i32
      %add3A_318 = arith.addi %mul3A_2, %add3A_317 : i32
      %dma_wait3A_319 = arith.constant 2048 : i32
      %dma_wait3A_320 = tpu.memref_slice %arg12[%add3A_318, %dma_wait3A_319] : memref<20480x2304xf32, #tpu.memory_space<hbm>> -> memref<32x256xf32, #tpu.memory_space<hbm>>
      %dma_wait3A_321 = arith.constant 2048 : i32
      %dma_wait3A_322 = tpu.memref_slice %arg12[%add3A_318, %dma_wait3A_321] : memref<20480x2304xf32, #tpu.memory_space<hbm>> -> memref<32x256xf32, #tpu.memory_space<hbm>>
      tpu.wait_dma2 semaphore(%arg20 : memref<!tpu.dma_semaphore, #tpu.memory_space<semaphore_mem>>) src(%arg16 : memref<32x256xf32, #tpu.memory_space<vmem>>) dst(%dma_wait3A_322 : memref<32x256xf32, #tpu.memory_space<hbm>>)
      %add3A_323 = arith.constant 2 : i32
      %add3A_324 = arith.addi %mul3A_287, %add3A_323 : i32
      %dma_start3A_325 = arith.constant 0 : i32
      %dma_start3A_326 = tpu.memref_slice %arg13[%add3A_324, %dma_start3A_325] : memref<20x32xi32, #tpu.memory_space<vmem>> -> memref<1x32xi32, #tpu.memory_space<vmem>>
      %dma_start3A_327 = tpu.memref_squeeze %dma_start3A_326 : memref<1x32xi32, #tpu.memory_space<vmem>> -> memref<32xi32, #tpu.memory_space<vmem>>
      %dma_start3A_328 = arith.constant 0 : i32
      %dma_start3A_329 = arith.constant 0 : i32
      %dma_start3A_330 = tpu.memref_slice %arg11[%dma_start3A_328, %dma_start3A_329] : memref<1000x256xf32, #tpu.memory_space<hbm>> -> memref<1000x256xf32, #tpu.memory_space<hbm>>
      tpu.enqueue_indirect_dma source(%dma_start3A_330 : memref<1000x256xf32, #tpu.memory_space<hbm>>) target(%arg16 : memref<32x256xf32, #tpu.memory_space<vmem>>) offsets(%dma_start3A_327 : memref<32xi32, #tpu.memory_space<vmem>>) semaphore(%arg18 : memref<!tpu.dma_semaphore, #tpu.memory_space<semaphore_mem>>)
      %add3A_331 = arith.constant 1 : i32
      %add3A_332 = arith.addi %mul3A_287, %add3A_331 : i32
      %mul3A_333 = arith.constant 32 : i32
      %mul3A_334 = arith.muli %add3A_332, %mul3A_333 : i32
      %add3A_335 = arith.addi %mul3A_2, %mul3A_334 : i32
      %dma_start3A_336 = arith.constant 2048 : i32
      %dma_start3A_337 = tpu.memref_slice %arg12[%add3A_335, %dma_start3A_336] : memref<20480x2304xf32, #tpu.memory_space<hbm>> -> memref<32x256xf32, #tpu.memory_space<hbm>>
      %dma_start3A_338 = arith.constant 2048 : i32
      %dma_start3A_339 = tpu.memref_slice %arg12[%add3A_335, %dma_start3A_338] : memref<20480x2304xf32, #tpu.memory_space<hbm>> -> memref<32x256xf32, #tpu.memory_space<hbm>>
      tpu.enqueue_dma source(%arg17 : memref<32x256xf32, #tpu.memory_space<vmem>>) target(%dma_start3A_339 : memref<32x256xf32, #tpu.memory_space<hbm>>) target_semaphore(%arg21 : memref<!tpu.dma_semaphore, #tpu.memory_space<semaphore_mem>>)
      %add3A_340 = arith.constant 0 : i32
      %add3A_341 = arith.addi %mul3A_2, %add3A_340 : i32
      %dma_wait3A_342 = arith.constant 2048 : i32
      %dma_wait3A_343 = tpu.memref_slice %arg12[%add3A_341, %dma_wait3A_342] : memref<20480x2304xf32, #tpu.memory_space<hbm>> -> memref<32x256xf32, #tpu.memory_space<hbm>>
      %dma_wait3A_344 = arith.constant 2048 : i32
      %dma_wait3A_345 = tpu.memref_slice %arg12[%add3A_341, %dma_wait3A_344] : memref<20480x2304xf32, #tpu.memory_space<hbm>> -> memref<32x256xf32, #tpu.memory_space<hbm>>
      tpu.wait_dma2 semaphore(%arg21 : memref<!tpu.dma_semaphore, #tpu.memory_space<semaphore_mem>>) src(%arg17 : memref<32x256xf32, #tpu.memory_space<vmem>>) dst(%dma_wait3A_345 : memref<32x256xf32, #tpu.memory_space<hbm>>)
    }
    %scan3A_239 = arith.constant 9 : i32
    %dma_wait3A_240 = arith.constant 0 : i32
    %dma_wait3A_241 = arith.constant 0 : i32
    %dma_wait3A_242 = tpu.memref_slice %arg13[%dma_wait3A_240, %dma_wait3A_241] : memref<20x32xi32, #tpu.memory_space<vmem>> -> memref<1x32xi32, #tpu.memory_space<vmem>>
    %dma_wait3A_243 = tpu.memref_squeeze %dma_wait3A_242 : memref<1x32xi32, #tpu.memory_space<vmem>> -> memref<32xi32, #tpu.memory_space<vmem>>
    %dma_wait3A_244 = arith.constant 0 : i32
    %dma_wait3A_245 = arith.constant 0 : i32
    %dma_wait3A_246 = tpu.memref_slice %arg11[%dma_wait3A_244, %dma_wait3A_245] : memref<1000x256xf32, #tpu.memory_space<hbm>> -> memref<1000x256xf32, #tpu.memory_space<hbm>>
    tpu.wait_indirect_dma semaphore(%arg18 : memref<!tpu.dma_semaphore, #tpu.memory_space<semaphore_mem>>) src(%dma_wait3A_246 : memref<1000x256xf32, #tpu.memory_space<hbm>>) dst(%arg16 : memref<32x256xf32, #tpu.memory_space<vmem>>)
    %dma_start3A_247 = arith.constant 19 : i32
    %dma_start3A_248 = arith.constant 0 : i32
    %dma_start3A_249 = tpu.memref_slice %arg13[%dma_start3A_247, %dma_start3A_248] : memref<20x32xi32, #tpu.memory_space<vmem>> -> memref<1x32xi32, #tpu.memory_space<vmem>>
    %dma_start3A_250 = tpu.memref_squeeze %dma_start3A_249 : memref<1x32xi32, #tpu.memory_space<vmem>> -> memref<32xi32, #tpu.memory_space<vmem>>
    %dma_start3A_251 = arith.constant 0 : i32
    %dma_start3A_252 = arith.constant 0 : i32
    %dma_start3A_253 = tpu.memref_slice %arg11[%dma_start3A_251, %dma_start3A_252] : memref<1000x256xf32, #tpu.memory_space<hbm>> -> memref<1000x256xf32, #tpu.memory_space<hbm>>
    tpu.enqueue_indirect_dma source(%dma_start3A_253 : memref<1000x256xf32, #tpu.memory_space<hbm>>) target(%arg17 : memref<32x256xf32, #tpu.memory_space<vmem>>) offsets(%dma_start3A_250 : memref<32xi32, #tpu.memory_space<vmem>>) semaphore(%arg19 : memref<!tpu.dma_semaphore, #tpu.memory_space<semaphore_mem>>)
    %add3A_254 = arith.constant 576 : i32
    %add3A_255 = arith.addi %mul3A_2, %add3A_254 : i32
    %dma_start3A_256 = arith.constant 2048 : i32
    %dma_start3A_257 = tpu.memref_slice %arg12[%add3A_255, %dma_start3A_256] : memref<20480x2304xf32, #tpu.memory_space<hbm>> -> memref<32x256xf32, #tpu.memory_space<hbm>>
    %dma_start3A_258 = arith.constant 2048 : i32
    %dma_start3A_259 = tpu.memref_slice %arg12[%add3A_255, %dma_start3A_258] : memref<20480x2304xf32, #tpu.memory_space<hbm>> -> memref<32x256xf32, #tpu.memory_space<hbm>>
    tpu.enqueue_dma source(%arg16 : memref<32x256xf32, #tpu.memory_space<vmem>>) target(%dma_start3A_259 : memref<32x256xf32, #tpu.memory_space<hbm>>) target_semaphore(%arg20 : memref<!tpu.dma_semaphore, #tpu.memory_space<semaphore_mem>>)
    %dma_wait3A_260 = arith.constant 0 : i32
    %dma_wait3A_261 = arith.constant 0 : i32
    %dma_wait3A_262 = tpu.memref_slice %arg13[%dma_wait3A_260, %dma_wait3A_261] : memref<20x32xi32, #tpu.memory_space<vmem>> -> memref<1x32xi32, #tpu.memory_space<vmem>>
    %dma_wait3A_263 = tpu.memref_squeeze %dma_wait3A_262 : memref<1x32xi32, #tpu.memory_space<vmem>> -> memref<32xi32, #tpu.memory_space<vmem>>
    %dma_wait3A_264 = arith.constant 0 : i32
    %dma_wait3A_265 = arith.constant 0 : i32
    %dma_wait3A_266 = tpu.memref_slice %arg11[%dma_wait3A_264, %dma_wait3A_265] : memref<1000x256xf32, #tpu.memory_space<hbm>> -> memref<1000x256xf32, #tpu.memory_space<hbm>>
    tpu.wait_indirect_dma semaphore(%arg19 : memref<!tpu.dma_semaphore, #tpu.memory_space<semaphore_mem>>) src(%dma_wait3A_266 : memref<1000x256xf32, #tpu.memory_space<hbm>>) dst(%arg17 : memref<32x256xf32, #tpu.memory_space<vmem>>)
    %add3A_267 = arith.constant 0 : i32
    %add3A_268 = arith.addi %mul3A_2, %add3A_267 : i32
    %dma_wait3A_269 = arith.constant 2048 : i32
    %dma_wait3A_270 = tpu.memref_slice %arg12[%add3A_268, %dma_wait3A_269] : memref<20480x2304xf32, #tpu.memory_space<hbm>> -> memref<32x256xf32, #tpu.memory_space<hbm>>
    %dma_wait3A_271 = arith.constant 2048 : i32
    %dma_wait3A_272 = tpu.memref_slice %arg12[%add3A_268, %dma_wait3A_271] : memref<20480x2304xf32, #tpu.memory_space<hbm>> -> memref<32x256xf32, #tpu.memory_space<hbm>>
    tpu.wait_dma2 semaphore(%arg20 : memref<!tpu.dma_semaphore, #tpu.memory_space<semaphore_mem>>) src(%arg16 : memref<32x256xf32, #tpu.memory_space<vmem>>) dst(%dma_wait3A_272 : memref<32x256xf32, #tpu.memory_space<hbm>>)
    %add3A_273 = arith.constant 608 : i32
    %add3A_274 = arith.addi %mul3A_2, %add3A_273 : i32
    %dma_start3A_275 = arith.constant 2048 : i32
    %dma_start3A_276 = tpu.memref_slice %arg12[%add3A_274, %dma_start3A_275] : memref<20480x2304xf32, #tpu.memory_space<hbm>> -> memref<32x256xf32, #tpu.memory_space<hbm>>
    %dma_start3A_277 = arith.constant 2048 : i32
    %dma_start3A_278 = tpu.memref_slice %arg12[%add3A_274, %dma_start3A_277] : memref<20480x2304xf32, #tpu.memory_space<hbm>> -> memref<32x256xf32, #tpu.memory_space<hbm>>
    tpu.enqueue_dma source(%arg17 : memref<32x256xf32, #tpu.memory_space<vmem>>) target(%dma_start3A_278 : memref<32x256xf32, #tpu.memory_space<hbm>>) target_semaphore(%arg21 : memref<!tpu.dma_semaphore, #tpu.memory_space<semaphore_mem>>)
    %add3A_279 = arith.constant 0 : i32
    %add3A_280 = arith.addi %mul3A_2, %add3A_279 : i32
    %dma_wait3A_281 = arith.constant 2048 : i32
    %dma_wait3A_282 = tpu.memref_slice %arg12[%add3A_280, %dma_wait3A_281] : memref<20480x2304xf32, #tpu.memory_space<hbm>> -> memref<32x256xf32, #tpu.memory_space<hbm>>
    %dma_wait3A_283 = arith.constant 2048 : i32
    %dma_wait3A_284 = tpu.memref_slice %arg12[%add3A_280, %dma_wait3A_283] : memref<20480x2304xf32, #tpu.memory_space<hbm>> -> memref<32x256xf32, #tpu.memory_space<hbm>>
    tpu.wait_dma2 semaphore(%arg21 : memref<!tpu.dma_semaphore, #tpu.memory_space<semaphore_mem>>) src(%arg17 : memref<32x256xf32, #tpu.memory_space<vmem>>) dst(%dma_wait3A_284 : memref<32x256xf32, #tpu.memory_space<hbm>>)
    return
  }
}

</mosaic_0001>

<sc_bundles>
// kernel: kernel.3.cloned.1.call-start
scs
__scs_entry_jumppad:
0x0: {  	(pc) =	sbr.rel $0x88, $3  }
0x1: {  	(tag) =	ssettag $0x0;
	lr =	simm.s32 $0x1  }
0x2: {  	[smem:$0x3F97] =	sst lr;
	_ =	strace $0xD0000000  }
0x3: {  	_ = 	snop  }
0x4: {  	_ = 	snop  }
0x5: {  	_ = 	snop  }
0x6: {  	_ = 	snop  }
0x7: {  	_ = 	snop  }
__scs_overlays_trampoline_lowered:
0x8: {  	[smem:$0x3FA6] =	sst s0  }
0x9: {  	[smem:$0x3FA7] =	sst s1  }
0xa: {  	[smem:$0x3FA8] =	sst s2  }
0xb: {  	[smem:$0x3FA9] =	sst s3  }
0xc: {  	[smem:$0x3FAA] =	sst s4  }
0xd: {  	[smem:$0x3FAB] =	sst s5  }
0xe: {  	[smem:$0x3FAC] =	sst s6  }
0xf: {  	[smem:$0x3FAD] =	sst s7  }
0x10: {  	[smem:$0x3FAE] =	sst s8  }
0x11: {  	[smem:$0x3FAF] =	sst s9;
	s0 =	simm.s32 @!p0 $0x0  }
0x12: {  	s1 =	sld [smem:$0x3F95];
	s0 =	simm.s32 @p0 $0x1  }
0x13: {  	[smem:$0x3FB0] =	sst s0;
	s0 =	simm.s32 @!p1 $0x0  }
0x14: {  	s2 =	sld [smem:$0x3F94];
	s0 =	simm.s32 @p1 $0x1  }
0x15: {  	[smem:$0x3FB1] =	sst s0;
	s0 =	simm.s32 @!p2 $0x0  }
0x16: {  	s3 =	sld [smem:$0x3FDB];
	s0 =	simm.s32 @p2 $0x1  }
0x17: {  	s4 =	simm.s32 $0x1BF5;
	[smem:$0x3FB3] =	sst s0  }
0x18: {  	s0 =	sld [smem:$0x3F96];
	_ =	swait.ge [sflag:s4], $0x0  }
0x19: {  	s7 =	sld [smem:$0x3F97]  }
0x1a: {  	s8 =	sadd.s32 $0xFFFFE003, lr  }
0x1b: {  	s9 =	sadd.s32 $0xFFFFFEF7, lr;
	s5 =	simm.s32 $0xFFFFFFFF;
	p2 =	slt.u32 s8, $0xFFFFF086  }
0x1c: {  	p1 =	slt.u32 s9, $0xF7A;
	s5 =	simm.s32 @!p2 $0x0  }
0x1d: {  	s5 =	simm.s32 @p1 $0x1;
	p0 =	seq.s32 s7, s2  }
0x1e: {  	s7 =	smul.u32 @!p0 $0xF7A, s2;
	p2 =	seq.s32 @!p0 s5, $0x0  }
0x1f: {  	s9 =	smul.u32 $0xF7A, s1;
	s8 =	simm.s32 @!p0 $0x1BF5;
	p2 =	por !p2, p0  }
0x20: {  	[sflag:s8] =	ssyncset.s32 @!p0 $0xFFFFF086;
	s6 =	sadd.s32 @!p0 s3, s7;
	s7 =	simm.s32 @!p0 $0x108  }
0x21: {  	s3 =	sadd.s32 s3, s9;
	s6 =	sadd.s32 @!p0 $0x88, s6;
	s7 =	simm.s32 @p2 $0x1082  }
0x22: {  	[simem:s7], [sflag:s8] =	dma.local @!p0 [hbm:s6], $0xF7A  }
0x23: {  	s9 =	sor.u32 $0xD0000000, s2;
	s6 =	simm.s32 $0x108;
	_ =	swait.ge @!p0 [sflag:s8], $0x0  }
0x24: {  	s3 =	sadd.s32 $0x88, s3;
	s6 =	simm.s32 @!p1 $0x1082;
	[sflag:s4] =	ssyncset.s32 $0xFFFFF086  }
0x25: {  	[simem:s6], [sflag:s4] =	dma.local [hbm:s3], $0xF7A  }
0x26: {  	[smem:$0x3F97] =	sst s1;
	(tag) =	ssettag s2;
	_ =	strace s9  }
0x27: {  	s1 =	sld [smem:$0x3FA7]  }
0x28: {  	s2 =	sld [smem:$0x3FA8]  }
0x29: {  	s4 =	sld [smem:$0x3FAA]  }
0x2a: {  	p0 =	seq.s32 s5, $0x0;
	s5 =	sld [smem:$0x3FAB]  }
0x2b: {  	s6 =	sld [smem:$0x3FAC]  }
0x2c: {  	s7 =	sld [smem:$0x3FAD]  }
0x2d: {  	s3 =	simm.s32 $0x108;
	s8 =	sld [smem:$0x3FAE]  }
0x2e: {  	s3 =	simm.s32 @!p0 $0x1082;
	s9 =	sld [smem:$0x3FAF]  }
0x2f: {  	lr =	sadd.s32 s0, s3;
	s0 =	sld [smem:$0x3FA6]  }
0x30: {  	s3 =	sld [smem:$0x3FA9]  }
0x31: {  	[smem:$0x3FB2] =	sst s10  }
0x32: {  	s10 =	sld [smem:$0x3FB0];
	_ =	sdelay $0x3  }
0x33: {  	p0 =	seq.s32 s10, $0x1;
	s10 =	sld [smem:$0x3FB2];
	_ =	sdelay $0x3  }
0x34: {  	[smem:$0x3FB2] =	sst s10  }
0x35: {  	s10 =	sld [smem:$0x3FB1];
	_ =	sdelay $0x3  }
0x36: {  	p1 =	seq.s32 s10, $0x1;
	s10 =	sld [smem:$0x3FB2];
	_ =	sdelay $0x3  }
0x37: {  	[smem:$0x3FB2] =	sst s10  }
0x38: {  	s10 =	sld [smem:$0x3FB3]  }
0x39: {  	_ = 	snop;
	(pc) =	sbr.ind lr, $3  }
0x3a: {  	_ = 	snop  }
0x3b: {  	_ = 	snop  }
0x3c: {  	p2 =	seq.s32 s10, $0x1;
	s10 =	sld [smem:$0x3FB2]  }
0x3d: {  	_ =	shalt  }
0x3e: {  	_ =	shalt  }
0x3f: {  	_ =	shalt  }
0x40: {  	_ =	shalt  }
0x41: {  	_ =	shalt  }
0x42: {  	_ =	shalt  }
0x43: {  	_ =	shalt  }
0x44: {  	_ =	shalt  }
0x45: {  	_ =	shalt  }
0x46: {  	_ =	shalt  }
0x47: {  	_ =	shalt  }
0x48: {  	_ =	shalt  }
0x49: {  	_ =	shalt  }
0x4a: {  	_ =	shalt  }
0x4b: {  	_ =	shalt  }
0x4c: {  	_ =	shalt  }
0x4d: {  	_ =	shalt  }
0x4e: {  	_ =	shalt  }
0x4f: {  	_ =	shalt  }
0x50: {  	_ =	shalt  }
0x51: {  	_ =	shalt  }
0x52: {  	_ =	shalt  }
0x53: {  	_ =	shalt  }
0x54: {  	_ =	shalt  }
0x55: {  	_ =	shalt  }
0x56: {  	_ =	shalt  }
0x57: {  	_ =	shalt  }
0x58: {  	_ =	shalt  }
0x59: {  	_ =	shalt  }
0x5a: {  	_ =	shalt  }
0x5b: {  	_ =	shalt  }
0x5c: {  	_ =	shalt  }
0x5d: {  	_ =	shalt  }
0x5e: {  	_ =	shalt  }
0x5f: {  	_ =	shalt  }
0x60: {  	_ =	shalt  }
0x61: {  	_ =	shalt  }
0x62: {  	_ =	shalt  }
0x63: {  	_ =	shalt  }
0x64: {  	_ =	shalt  }
0x65: {  	_ =	shalt  }
0x66: {  	_ =	shalt  }
0x67: {  	_ =	shalt  }
0x68: {  	_ =	shalt  }
0x69: {  	_ =	shalt  }
0x6a: {  	_ =	shalt  }
0x6b: {  	_ =	shalt  }
0x6c: {  	_ =	shalt  }
0x6d: {  	_ =	shalt  }
0x6e: {  	_ =	shalt  }
0x6f: {  	_ =	shalt  }
0x70: {  	_ =	shalt  }
0x71: {  	_ =	shalt  }
0x72: {  	_ =	shalt  }
0x73: {  	_ =	shalt  }
0x74: {  	_ =	shalt  }
0x75: {  	_ =	shalt  }
0x76: {  	_ =	shalt  }
0x77: {  	_ =	shalt  }
0x78: {  	_ =	shalt  }
0x79: {  	_ =	shalt  }
0x7a: {  	_ =	shalt  }
0x7b: {  	_ =	shalt  }
0x7c: {  	_ =	shalt  }
0x7d: {  	_ =	shalt  }
0x7e: {  	_ =	shalt  }
0x7f: {  	_ =	shalt  }
0x80: {  	_ =	shalt  }
0x81: {  	_ =	shalt  }
0x82: {  	_ =	shalt  }
0x83: {  	_ =	shalt  }
0x84: {  	_ =	shalt  }
0x85: {  	_ =	shalt  }
0x86: {  	_ =	shalt  }
0x87: {  	_ =	shalt  }
.Lfunc_end0:
.L_simem_size_0:
called_computation.1_lowered:
.L_overlay_start_0:
0x88: {  	s2 =	sld [smem:$0x3FD9]  }
0x89: {  	s3 =	sld [smem:$0x3FFE];
	_ =	sdelay $0x1  }
0x8a: {  	s1 =	srdreg.scid  }
0x8b: {  	s0 =	sand.u32 $0x1, s1  }
0x8c: {  	s17 =	sshll.u32 s0, $0xA;
	s2 =	sadd.s32 s3, s2  }
0x8d: {  	s2 =	sadd.s32 s2, s17  }
0x8e: {  	[smem:$0x3FBE] =	sst s2  }
0x8f: {  	_ = 	snop  }
0x90: {  	s2 =	sld [smem:$0x3FC4]  }
0x91: {  	s18 =	sld [smem:$0x3FC3]  }
0x92: {  	s4 =	sld [smem:$0x3FC2]  }
0x93: {  	s5 =	sld [smem:$0x3FC1]  }
0x94: {  	s6 =	sld [smem:$0x3FC0]  }
0x95: {  	s7 =	sld [smem:$0x3FD0];
	(tm) =	ssettm $0x1  }
0x96: {  	s8 =	sld [smem:$0x3FFB];
	_ =	sdelay $0x3  }
0x97: {  	_ =	strace s8  }
0x98: {  	s8 =	sld [smem:$0x3FFC];
	_ =	sdelay $0x3  }
0x99: {  	_ =	strace s8  }
0x9a: {  	s8 =	sld [smem:$0x3FFD];
	_ =	sdelay $0x3  }
0x9b: {  	_ =	strace s8  }
0x9c: {  	_ =	strace $0x8FFFFFFF  }
0x9d: {  	s19 =	sld [smem:$0x3FDB];
	_ =	sdelay $0x1  }
0x9e: {  	s9 =	simm.s32 $_scs_section_size  }
0x9f: {  	s10 =	simm.s32 $_size__tile_overlayer_lowered;
	s11 =	simm.s32 $_tile_overlayer_lowered  }
0xa0: {  	s22 =	simm.s32 $0x1BFF;
	s21 =	sshll.u32 s11, $0x1;
	s8 =	sadd.s32 s9, s19  }
0xa1: {  	s12 =	simm.s32 $0x0;
	s20 =	sshll.u32 s10, $0x1;
	s10 =	sadd.s32 s21, s8  }
0xa2: {  	[timem:s12], [sflag:s22] =	dma.local [hbm:s10], s20  }
0xa3: {  	_ =	swait.ge [sflag:s22], s20  }
0xa4: {  	s9 =	ssub.s32 $0x0, s20;
	[sflag:s22] =	ssyncset.done $0x0  }
0xa5: {  	[sflag:s22] =	ssyncadd.s32 s9;
	_ =	sdelay $0x1  }
0xa6: {  	s23 =	simm.s32 $0x1B8B  }
0xa7: {  	_ =	swait.ge [sflag:s23], $0x1  }
0xa8: {  	[sflag:s23] =	ssyncset.done $0x0  }
0xa9: {  	s25 =	simm.s32 $0x1B8E;
	s24 =	sld [smem:$0x3FFE];
	[sflag:s23] =	ssyncadd.s32 $0xFFFFFFFF  }
0xaa: {  	s26 =	simm.s32 $execute0_lowered;
	[smem:$0x3FD2] =	sst s25  }
0xab: {  	s10 =	sshll.u32 s26, $0x1;
	_ =	strace $0x80000046;
	[dreg:$0x1] =	wrdreg $0xFFFFFFFF  }
0xac: {  	s28 =	simm.s32 $_size_execute0_lowered;
	s8 =	sadd.s32 s8, s10;
	[dreg:$0x0] =	wrdreg $0x0  }
0xad: {  	s10 =	sshll.u32 s28, $0x1;
	[dreg:$0x2] =	wrdreg s8  }
0xae: {  	[dreg:$0x3] =	wrdreg s10  }
0xaf: {  	[dreg:$0x4] =	wrdreg $0xC0  }
0xb0: {  	_ =	task [dreg:s12], $0x5FFFF  }
0xb1: {  	[dreg:$0x1] =	wrdreg $0xFFFFFFFF  }
0xb2: {  	[dreg:$0x0] =	wrdreg $0x60  }
0xb3: {  	[dreg:$0x2] =	wrdreg s24  }
0xb4: {  	[dreg:$0x3] =	wrdreg s2  }
0xb5: {  	[dreg:$0x4] =	wrdreg s18  }
0xb6: {  	[dreg:$0x5] =	wrdreg s4  }
0xb7: {  	[dreg:$0x6] =	wrdreg s5  }
0xb8: {  	[dreg:$0x7] =	wrdreg s6  }
0xb9: {  	[dreg:$0x8] =	wrdreg s7  }
0xba: {  	[dreg:$0x9] =	wrdreg $0x9  }
0xbb: {  	_ =	task.clear_ibuf [dreg:s12], $0xAFFFF;
	_ =	strace $0x90000046  }
0xbc: {  	s29 =	simm.s32 $0x9;
	_ =	strace $0x80000048  }
0xbd: {  	_ =	swait.ge [sflag:s29], $0x1  }
0xbe: {  	[sflag:s29] =	ssyncadd.s32 $0xFFFFFFFF  }
0xbf: {  	_ =	strace $0x90000048  }
0xc0: {  	_ =	sfence  }
0xc1: {  	s30 =	sld [smem:$0x0];
	_ =	sdelay $0x2  }
0xc2: {  	s31 =	sshll.u32 s1, $0xD;
	s1 =	sshrl.u32 s1, $0x2  }
0xc3: {  	s3 =	sand.u32 $0x4000, s31;
	s1 =	sadd.s32 s1, s30  }
0xc4: {  	s0 =	sor.u32 s3, s0;
	s1 =	sshll.u32 s1, $0x11  }
0xc5: {  	s0 =	sor.u32 s1, s0  }
0xc6: {  	s0 =	sadd.s32 $0x8F2B, s0  }
0xc7: {  	[sflag:s0] =	ssyncadd.remote.s32 $0x1  }
0xc8: {  	_ =	sfence.sel $0xFFFF  }
0xc9: {  	[dreg:$0x0] =	wrdreg $0xFFFFFFFF;
	(pc) =	sbr.abs _section_cstart, $3  }
0xca: {  	[dreg:$0x1] =	wrdreg $0xFFFFFFFF  }
0xcb: {  	_ =	task.clear_ibuf [dreg:s12], $0x2FFFF;
	_ =	strace $0x9FFFFFFF  }
0xcc: {  	(tm) =	ssettm $0x7FFFFFFF  }
0xcd: {  	_ =	shalt  }
tec
execute0_lowered:
.L_overlay_start_1:
0x0: {  	(tag) =	ssettag $0x1  }
0x1: {  	s1 =	rddreg [dreg:$0x0]  }
0x2: {  	s0 =	rddreg [dreg:$0x1]  }
0x3: {  	s2 =	rddreg [dreg:$0x2]  }
0x4: {  	s3 =	rddreg [dreg:$0x3]  }
0x5: {  	s4 =	rddreg [dreg:$0x4]  }
0x6: {  	s5 =	srdreg.scid;
	s6 =	rddreg [dreg:$0x5]  }
0x7: {  	s13 =	stileid.u32;
	s8 =	rddreg [dreg:$0x6];
	s31 =	simm.s32 $0x5C00  }
0x8: {  	s28 =	simm.s32 $0x2;
	s5 =	sand.u32 $0x1, s5;
	s7 =	sshll.u32 s13, $0x1  }
0x9: {  	s29 =	simm.s32 $0x3;
	s13 =	smul.u32 $0x500, s13;
	s9 =	sor.u32 s5, s7  }
0xa: {  	s7 =	simm.s32 $0x0;
	s11 =	ssub.s32 $0x2, s5;
	s5 =	smul.u32 $0x280, s5  }
0xb: {  	s30 =	simm.s32 $0x4;
	s10 =	smul.u32 $0x280, s9;
	[smem:$0x7FF] =	sst s7  }
0xc: {  	s9 =	smul.u32 $0x180, s9;
	s19 =	sshrl.u32 s11, $0x1;
	_ =	strace $0x80000047  }
0xd: {  	s11 =	ssub.s32 s11, s19;
	s5 =	sadd.s32 s5, s13;
	s10 =	sshrl.u32 s10, $0x3  }
0xe: {  	s1 =	sadd.s32 s9, s1;
	s13 =	sshrl.u32 s5, $0x3;
	s11 =	smax.u32 s11, $0x1  }
0xf: {  	s12 =	smul.u32 $0x4800, s10;
	s20 =	sadd.s32 $0x800, s1;
	[dreg:$0x16] =	wrdreg s11  }
0x10: {  	s21 =	sadd.s32 $0x3800, s1;
	s13 =	smul.u32 $0x900, s13;
	[dreg:$0xa] =	wrdreg s20  }
0x11: {  	s17 =	sadd.s32 $0x300, s8;
	s23 =	sadd.s32 $0x6800, s1;
	[dreg:$0xd] =	wrdreg s21  }
0x12: {  	[dreg:$0x11] =	wrdreg s23;
	s14 =	sadd.s32 $0x144000, s12;
	s13 =	sadd.s32 s13, s8  }
0x13: {  	s12 =	sadd.s32 $0x156000, s12;
	s22 =	sadd.s32 $0x300, s13;
	[dreg:$0xf] =	wrdreg s13  }
0x14: {  	s16 =	sshrl.u32 s14, $0x3;
	s21 =	sadd.s32 $0x600, s13;
	[dreg:$0x8] =	wrdreg s22  }
0x15: {  	s12 =	sshrl.u32 s12, $0x3;
	s23 =	sadd.s32 $0x700, s13;
	[dreg:$0x1b] =	wrdreg s21  }
0x16: {  	s18 =	sadd.s32 s8, s16;
	s16 =	sadd.s32 s16, s17;
	[dreg:$0x1d] =	wrdreg s23  }
0x17: {  	s19 =	sadd.s32 s8, s12;
	s12 =	sadd.s32 s12, s17;
	[dreg:$0xe] =	wrdreg s16  }
0x18: {  	s15 =	sadd.s32 $0x200, s2;
	s5 =	sor.u32 $0x20, s5;
	[dreg:$0x10] =	wrdreg s12  }
0x19: {  	s9 =	sadd.s32 $0x100, s0;
	s5 =	sshrl.u32 s5, $0x3;
	[dreg:$0xb] =	wrdreg s18  }
0x1a: {  	s5 =	smul.u32 $0x900, s5;
	s25 =	sadd.s32 $0x600, s18;
	[dreg:$0xc] =	wrdreg s19  }
0x1b: {  	s10 =	sadd.s32 $0x200, s0;
	s26 =	sadd.s32 $0x600, s19;
	[dreg:$0x12] =	wrdreg s25  }
0x1c: {  	s12 =	sadd.s32 s5, s8;
	s8 =	sadd.s32 $0x9800, s1;
	[dreg:$0x13] =	wrdreg s26  }
0x1d: {  	s11 =	simm.s32 $0x7400;
	s1 =	sadd.s32 $0xC800, s1;
	[dreg:$0x14] =	wrdreg s8  }
0x1e: {  	s14 =	sadd.s32 $0x100, s2;
	s16 =	sadd.s32 $0x700, s18;
	[dreg:$0x15] =	wrdreg s1  }
0x1f: {  	s23 =	simm.s32 $0x4C00;
	s17 =	sadd.s32 $0x700, s19;
	[dreg:$0x17] =	wrdreg s16  }
0x20: {  	s18 =	sadd.s32 $0x800, s18;
	s20 =	sadd.s32 $0x800, s19;
	[dreg:$0x18] =	wrdreg s17  }
0x21: {  	s19 =	simm.s32 $0x3400;
	s5 =	simm.s32 $0x0;
	[dreg:$0x19] =	wrdreg s18  }
0x22: {  	s24 =	sadd.s32 $0x300, s12;
	[dreg:$0x1a] =	wrdreg s20;
	s22 =	sadd.s32 $0x600, s12  }
0x23: {  	s25 =	sadd.s32 $0x800, s13;
	[smem:$0x7FC] =	sst s12;
	s26 =	sadd.s32 $0x800, s12  }
0x24: {  	s17 =	simm.s32 $0xC00;
	s1 =	simm.s32 $0x1C00;
	[dreg:$0x9] =	wrdreg s24  }
0x25: {  	s8 =	simm.s32 $0x2400;
	s13 =	simm.s32 $0x2C00;
	[dreg:$0x1c] =	wrdreg s22  }
0x26: {  	s20 =	simm.s32 $0x3C00;
	s18 =	simm.s32 $0x1;
	[dreg:$0x1f] =	wrdreg s25  }
0x27: {  	v2 =	vlaneseq.u32;
	s16 =	simm.s32 $0x800;
	s24 =	sadd.s32 $0x700, s12;
	[smem:$0x7FD] =	sst s26  }
0x28: {  	vm0 =	vmmov $0xffff;
	v1 =	vshrl.u32 v2, $0x3;
	s25 =	simm.s32 $0x5;
	s12 =	simm.s32 $0x1400;
	s22 =	simm.s32 $0x4400  }
0x29: {  	v0 =	vand.u32 $0x7, v2;
	v2 =	vor.u32 $0x8, v2;
	v1 =	vmul.u32 $0x8, v1;
	s26 =	simm.s32 $0x4800;
	[dreg:$0x1e] =	wrdreg s24;
	s24 =	simm.s32 $0x5400  }
.LBB2_1:
0x2a: {  	[smem:$0x7FB] =	sst s5  }
0x2b: {  	s21 =	rddreg [dreg:$0xa]  }
0x2c: {  	[tilespmem:s7], [sflag:$0x5] =	stream.linear.gather [hbm4b:s21+s7], $0xA00, $0x38;
	[tilespmem:$0x10C00] =	vst v63  }
0x2d: {  	_ =	swait.ge [sflag:s25], $0xA00  }
0x2e: {  	[sflag:s25] =	ssyncset.done $0x0  }
0x2f: {  	[sflag:s25] =	ssyncadd.s32 $0xFFFFF600  }
0x30: {  	v3 =	vld [tilespmem:$0x0];
	_ =	sdelay $0x4  }
0x31: {  	v4 =	vshrl.u32 v3, $0x3  }
0x32: {  	v4 =	vmul.u32 $0x30, v4  }
0x33: {  	v3 =	vand.u32 $0x7, v3  }
0x34: {  	v3 =	vor.u32 v3, v4  }
0x35: {  	v4 =	vperm.xlane v3, v0;
	_ =	sdelay $0x1  }
0x36: {  	v4 =	vadd.s32 v1, v4;
	_ =	sdelay $0x3  }
0x37: {  	v3 =	vperm.xlane v3, v2  }
0x38: {  	[tilespmem:s17], [sflag:$0x1] =	stream.indirect_vreg.gather [hbm4b:s0+s7], $0x80, v4, vm0, $0xb8;
	[tilespmem:$0x10C00] =	vst v63  }
0x39: {  	v3 =	vadd.s32 v1, v3  }
0x3a: {  	[tilespmem:s12], [sflag:$0x1] =	stream.indirect_vreg.gather [hbm4b:s9+s7], $0x80, v4, vm0, $0xb8;
	[tilespmem:$0x10C00] =	vst v63  }
0x3b: {  	_ = 	snop  }
0x3c: {  	[tilespmem:s1], [sflag:$0x1] =	stream.indirect_vreg.gather [hbm4b:s10+s7], $0x80, v4, vm0, $0xb8;
	[tilespmem:$0x10C00] =	vst v63  }
0x3d: {  	_ = 	snop  }
0x3e: {  	[tilespmem:s8], [sflag:$0x1] =	stream.indirect_vreg.gather [hbm4b:s0+s7], $0x80, v3, vm0, $0xb8;
	[tilespmem:$0x10C00] =	vst v63  }
0x3f: {  	_ = 	snop  }
0x40: {  	[tilespmem:s13], [sflag:$0x1] =	stream.indirect_vreg.gather [hbm4b:s9+s7], $0x80, v3, vm0, $0xb8;
	[tilespmem:$0x10C00] =	vst v63  }
0x41: {  	_ = 	snop  }
0x42: {  	[tilespmem:s19], [sflag:$0x1] =	stream.indirect_vreg.gather [hbm4b:s10+s7], $0x80, v3, vm0, $0xb8;
	[tilespmem:$0x10C00] =	vst v63  }
0x43: {  	v3 =	vld [tilespmem:$0x10];
	_ =	sdelay $0x4  }
0x44: {  	v63 =	vshrl.u32 v3, $0x3  }
0x45: {  	v4 =	vmul.u32 $0x30, v63  }
0x46: {  	v3 =	vand.u32 $0x7, v3  }
0x47: {  	v3 =	vor.u32 v3, v4  }
0x48: {  	v4 =	vperm.xlane v3, v0;
	_ =	sdelay $0x1  }
0x49: {  	v4 =	vadd.s32 v1, v4;
	_ =	sdelay $0x3  }
0x4a: {  	v3 =	vperm.xlane v3, v2  }
0x4b: {  	[tilespmem:s20], [sflag:$0x1] =	stream.indirect_vreg.gather [hbm4b:s0+s7], $0x80, v4, vm0, $0xb8;
	[tilespmem:$0x10C00] =	vst v63  }
0x4c: {  	v3 =	vadd.s32 v1, v3  }
0x4d: {  	[tilespmem:s22], [sflag:$0x1] =	stream.indirect_vreg.gather [hbm4b:s9+s7], $0x80, v4, vm0, $0xb8;
	[tilespmem:$0x10C00] =	vst v63  }
0x4e: {  	s5 =	simm.s32 $0x1800;
	s21 =	simm.s32 $0x90;
	s25 =	simm.s32 $0x6400  }
0x4f: {  	[tilespmem:s23], [sflag:$0x1] =	stream.indirect_vreg.gather [hbm4b:s10+s7], $0x80, v4, vm0, $0xb8;
	[tilespmem:$0x10C00] =	vst v63  }
0x50: {  	s17 =	simm.s32 $0xC00;
	s12 =	rddreg [dreg:$0xf];
	s1 =	simm.s32 $0x1C00  }
0x51: {  	[tilespmem:s24], [sflag:$0x1] =	stream.indirect_vreg.gather [hbm4b:s0+s7], $0x80, v3, vm0, $0xb8;
	[tilespmem:$0x10C00] =	vst v63  }
0x52: {  	s8 =	simm.s32 $0x2400;
	s13 =	simm.s32 $0x2C00;
	s19 =	simm.s32 $0x3400  }
0x53: {  	[tilespmem:s31], [sflag:$0x1] =	stream.indirect_vreg.gather [hbm4b:s9+s7], $0x80, v3, vm0, $0xb8;
	[tilespmem:$0x10C00] =	vst v63  }
0x54: {  	s20 =	simm.s32 $0x3C00;
	s22 =	simm.s32 $0x0;
	s23 =	simm.s32 $0x6C00  }
0x55: {  	[tilespmem:s25], [sflag:$0x1] =	stream.indirect_vreg.gather [hbm4b:s10+s7], $0x80, v3, vm0, $0xb8;
	[tilespmem:$0x10C00] =	vst v63  }
0x56: {  	s24 =	sld [smem:$0x7FC];
	s31 =	simm.s32 $0x1400;
	s25 =	simm.s32 $0x4400  }
.LBB2_2:
0x57: {  	_ =	swait.ge [sflag:s18], $0x6000  }
0x58: {  	[sflag:s18] =	ssyncset.done $0x0  }
0x59: {  	[sflag:s18] =	ssyncadd.s32 $0xFFFFA000  }
0x5a: {  	v3 =	vld [tilespmem:s21+$0xFFFFFFF0];
	_ =	sdelay $0x4  }
0x5b: {  	v4 =	vshrl.u32 v3, $0x3  }
0x5c: {  	v4 =	vmul.u32 $0x30, v4  }
0x5d: {  	v3 =	vand.u32 $0x7, v3  }
0x5e: {  	v3 =	vor.u32 v3, v4  }
0x5f: {  	v4 =	vperm.xlane v3, v0;
	_ =	sdelay $0x1  }
0x60: {  	v4 =	vadd.s32 v1, v4;
	_ =	sdelay $0x3  }
0x61: {  	v3 =	vperm.xlane v3, v2  }
0x62: {  	[tilespmem:s23], [sflag:$0x2] =	stream.indirect_vreg.gather [hbm4b:s0+s7], $0x80, v4, vm0, $0xb8;
	[tilespmem:$0x10C00] =	vst v63  }
0x63: {  	v3 =	vadd.s32 v1, v3  }
0x64: {  	[tilespmem:s11], [sflag:$0x2] =	stream.indirect_vreg.gather [hbm4b:s9+s7], $0x80, v4, vm0, $0xb8;
	[tilespmem:$0x10C00] =	vst v63  }
0x65: {  	s23 =	simm.s32 $0x7C00  }
0x66: {  	[tilespmem:s23], [sflag:$0x2] =	stream.indirect_vreg.gather [hbm4b:s10+s7], $0x80, v4, vm0, $0xb8;
	[tilespmem:$0x10C00] =	vst v63  }
0x67: {  	s23 =	simm.s32 $0x8400  }
0x68: {  	[tilespmem:s23], [sflag:$0x2] =	stream.indirect_vreg.gather [hbm4b:s0+s7], $0x80, v3, vm0, $0xb8;
	[tilespmem:$0x10C00] =	vst v63  }
0x69: {  	s23 =	simm.s32 $0x8C00  }
0x6a: {  	[tilespmem:s23], [sflag:$0x2] =	stream.indirect_vreg.gather [hbm4b:s9+s7], $0x80, v3, vm0, $0xb8;
	[tilespmem:$0x10C00] =	vst v63  }
0x6b: {  	s23 =	simm.s32 $0x9400  }
0x6c: {  	[tilespmem:s23], [sflag:$0x2] =	stream.indirect_vreg.gather [hbm4b:s10+s7], $0x80, v3, vm0, $0xb8;
	[tilespmem:$0x10C00] =	vst v63  }
0x6d: {  	v3 =	vld [tilespmem:s21+$0x0];
	_ =	sdelay $0x4  }
0x6e: {  	v61 =	vshrl.u32 v3, $0x3  }
0x6f: {  	v4 =	vmul.u32 $0x30, v61  }
0x70: {  	v3 =	vand.u32 $0x7, v3  }
0x71: {  	v3 =	vor.u32 v3, v4  }
0x72: {  	v4 =	vperm.xlane v3, v0;
	_ =	sdelay $0x1  }
0x73: {  	v4 =	vadd.s32 v1, v4;
	_ =	sdelay $0x3  }
0x74: {  	s23 =	simm.s32 $0x9C00;
	v3 =	vperm.xlane v3, v2  }
0x75: {  	[tilespmem:s23], [sflag:$0x2] =	stream.indirect_vreg.gather [hbm4b:s0+s7], $0x80, v4, vm0, $0xb8;
	[tilespmem:$0x10C00] =	vst v63  }
0x76: {  	v3 =	vadd.s32 v1, v3;
	s23 =	simm.s32 $0xA400  }
0x77: {  	[tilespmem:s23], [sflag:$0x2] =	stream.indirect_vreg.gather [hbm4b:s9+s7], $0x80, v4, vm0, $0xb8;
	[tilespmem:$0x10C00] =	vst v63  }
0x78: {  	s23 =	simm.s32 $0xAC00  }
0x79: {  	[tilespmem:s23], [sflag:$0x2] =	stream.indirect_vreg.gather [hbm4b:s10+s7], $0x80, v4, vm0, $0xb8;
	[tilespmem:$0x10C00] =	vst v63  }
0x7a: {  	s23 =	simm.s32 $0xB400  }
0x7b: {  	[tilespmem:s23], [sflag:$0x2] =	stream.indirect_vreg.gather [hbm4b:s0+s7], $0x80, v3, vm0, $0xb8;
	[tilespmem:$0x10C00] =	vst v63  }
0x7c: {  	s23 =	simm.s32 $0xBC00  }
0x7d: {  	[tilespmem:s23], [sflag:$0x2] =	stream.indirect_vreg.gather [hbm4b:s9+s7], $0x80, v3, vm0, $0xb8;
	[tilespmem:$0x10C00] =	vst v63  }
0x7e: {  	s23 =	simm.s32 $0xC400  }
0x7f: {  	[tilespmem:s23], [sflag:$0x2] =	stream.indirect_vreg.gather [hbm4b:s10+s7], $0x80, v3, vm0, $0xb8;
	[tilespmem:$0x10C00] =	vst v63  }
0x80: {  	s23 =	sadd.s32 s22, s12  }
0x81: {  	[hbm4b:s23+s5] =	stream.strided.scatter [tilespmem:s17], [sflag:$0x3], $0x6000, s26, s5, $0x38;
	[tilespmem:$0x10C00] =	vst v63  }
0x82: {  	_ =	swait.ge [sflag:s28], $0x6000  }
0x83: {  	[sflag:s28] =	ssyncset.done $0x0  }
0x84: {  	[sflag:s28] =	ssyncadd.s32 $0xFFFFA000  }
0x85: {  	_ =	swait.ge [sflag:s29], $0x6000  }
0x86: {  	[sflag:s29] =	ssyncset.done $0x0  }
0x87: {  	[sflag:s29] =	ssyncadd.s32 $0xFFFFA000  }
0x88: {  	v3 =	vld [tilespmem:s21+$0x70];
	_ =	sdelay $0x4  }
0x89: {  	v62 =	vshrl.u32 v3, $0x3  }
0x8a: {  	v4 =	vmul.u32 $0x30, v62  }
0x8b: {  	v3 =	vand.u32 $0x7, v3  }
0x8c: {  	v3 =	vor.u32 v3, v4  }
0x8d: {  	v4 =	vperm.xlane v3, v0;
	_ =	sdelay $0x1  }
0x8e: {  	v4 =	vadd.s32 v1, v4;
	_ =	sdelay $0x3  }
0x8f: {  	v3 =	vperm.xlane v3, v2  }
0x90: {  	[tilespmem:s17], [sflag:$0x1] =	stream.indirect_vreg.gather [hbm4b:s0+s7], $0x80, v4, vm0, $0xb8;
	[tilespmem:$0x10C00] =	vst v63  }
0x91: {  	v3 =	vadd.s32 v1, v3  }
0x92: {  	[tilespmem:s31], [sflag:$0x1] =	stream.indirect_vreg.gather [hbm4b:s9+s7], $0x80, v4, vm0, $0xb8;
	[tilespmem:$0x10C00] =	vst v63  }
0x93: {  	_ = 	snop  }
0x94: {  	[tilespmem:s1], [sflag:$0x1] =	stream.indirect_vreg.gather [hbm4b:s10+s7], $0x80, v4, vm0, $0xb8;
	[tilespmem:$0x10C00] =	vst v63  }
0x95: {  	_ = 	snop  }
0x96: {  	[tilespmem:s8], [sflag:$0x1] =	stream.indirect_vreg.gather [hbm4b:s0+s7], $0x80, v3, vm0, $0xb8;
	[tilespmem:$0x10C00] =	vst v63  }
0x97: {  	_ = 	snop  }
0x98: {  	[tilespmem:s13], [sflag:$0x1] =	stream.indirect_vreg.gather [hbm4b:s9+s7], $0x80, v3, vm0, $0xb8;
	[tilespmem:$0x10C00] =	vst v63  }
0x99: {  	_ = 	snop  }
0x9a: {  	[tilespmem:s19], [sflag:$0x1] =	stream.indirect_vreg.gather [hbm4b:s10+s7], $0x80, v3, vm0, $0xb8;
	[tilespmem:$0x10C00] =	vst v63  }
0x9b: {  	v3 =	vld [tilespmem:s21+$0x80];
	_ =	sdelay $0x4  }
0x9c: {  	v63 =	vshrl.u32 v3, $0x3  }
0x9d: {  	v4 =	vmul.u32 $0x30, v63  }
0x9e: {  	v3 =	vand.u32 $0x7, v3  }
0x9f: {  	v3 =	vor.u32 v3, v4  }
0xa0: {  	v4 =	vperm.xlane v3, v0;
	_ =	sdelay $0x1  }
0xa1: {  	v4 =	vadd.s32 v1, v4;
	_ =	sdelay $0x3  }
0xa2: {  	v3 =	vperm.xlane v3, v2  }
0xa3: {  	[tilespmem:s20], [sflag:$0x1] =	stream.indirect_vreg.gather [hbm4b:s0+s7], $0x80, v4, vm0, $0xb8;
	[tilespmem:$0x10C00] =	vst v63  }
0xa4: {  	v3 =	vadd.s32 v1, v3  }
0xa5: {  	[tilespmem:s25], [sflag:$0x1] =	stream.indirect_vreg.gather [hbm4b:s9+s7], $0x80, v4, vm0, $0xb8;
	[tilespmem:$0x10C00] =	vst v63  }
0xa6: {  	s23 =	simm.s32 $0x4C00  }
0xa7: {  	[tilespmem:s23], [sflag:$0x1] =	stream.indirect_vreg.gather [hbm4b:s10+s7], $0x80, v4, vm0, $0xb8;
	[tilespmem:$0x10C00] =	vst v63  }
0xa8: {  	s23 =	simm.s32 $0x5400  }
0xa9: {  	[tilespmem:s23], [sflag:$0x1] =	stream.indirect_vreg.gather [hbm4b:s0+s7], $0x80, v3, vm0, $0xb8;
	[tilespmem:$0x10C00] =	vst v63  }
0xaa: {  	s23 =	simm.s32 $0x5C00  }
0xab: {  	[tilespmem:s23], [sflag:$0x1] =	stream.indirect_vreg.gather [hbm4b:s9+s7], $0x80, v3, vm0, $0xb8;
	[tilespmem:$0x10C00] =	vst v63  }
0xac: {  	p0 =	sne.s32 s22, $0x24000;
	s23 =	simm.s32 $0x6400  }
0xad: {  	[tilespmem:s23], [sflag:$0x1] =	stream.indirect_vreg.gather [hbm4b:s10+s7], $0x80, v3, vm0, $0xb8;
	[tilespmem:$0x10C00] =	vst v63  }
.Ltmp0:
0xae: {  	s11 =	simm.s32 $0x6C00;
	s23 =	sadd.s32 s22, s24;
	(pc) =	sbr.rel @p0 .LBB2_2-.Ltmp0, $4  }
0xaf: {  	[hbm4b:s23+s5] =	stream.strided.scatter [tilespmem:s11], [sflag:$0x4], $0x6000, s26, s5, $0x38;
	[tilespmem:$0x10C00] =	vst v63  }
0xb0: {  	_ =	swait.ge [sflag:s30], $0x6000  }
0xb1: {  	s21 =	sadd.s32 $0x100, s21;
	s22 =	sadd.s32 $0x4800, s22;
	[sflag:s30] =	ssyncset.done $0x0  }
0xb2: {  	s11 =	simm.s32 $0x7400;
	s23 =	simm.s32 $0x6C00;
	[sflag:s30] =	ssyncadd.s32 $0xFFFFA000  }
0xb3: {  	_ =	swait.ge [sflag:s18], $0x6000  }
0xb4: {  	[sflag:s18] =	ssyncset.done $0x0  }
0xb5: {  	[sflag:s18] =	ssyncadd.s32 $0xFFFFA000  }
0xb6: {  	v3 =	vld [tilespmem:$0x980];
	_ =	sdelay $0x4  }
0xb7: {  	v4 =	vshrl.u32 v3, $0x3  }
0xb8: {  	v4 =	vmul.u32 $0x30, v4  }
0xb9: {  	v3 =	vand.u32 $0x7, v3  }
0xba: {  	v3 =	vor.u32 v3, v4  }
0xbb: {  	v4 =	vperm.xlane v3, v0;
	_ =	sdelay $0x1  }
0xbc: {  	v4 =	vadd.s32 v1, v4;
	_ =	sdelay $0x3  }
0xbd: {  	s21 =	simm.s32 $0x0;
	v3 =	vperm.xlane v3, v2  }
0xbe: {  	[tilespmem:s23], [sflag:$0x2] =	stream.indirect_vreg.gather [hbm4b:s0+s21], $0x80, v4, vm0, $0xb8;
	[tilespmem:$0x10C00] =	vst v63  }
0xbf: {  	v3 =	vadd.s32 v1, v3  }
0xc0: {  	[tilespmem:s11], [sflag:$0x2] =	stream.indirect_vreg.gather [hbm4b:s9+s21], $0x80, v4, vm0, $0xb8;
	[tilespmem:$0x10C00] =	vst v63  }
0xc1: {  	s12 =	simm.s32 $0x7C00  }
0xc2: {  	[tilespmem:s12], [sflag:$0x2] =	stream.indirect_vreg.gather [hbm4b:s10+s21], $0x80, v4, vm0, $0xb8;
	[tilespmem:$0x10C00] =	vst v63  }
0xc3: {  	s22 =	simm.s32 $0x8400  }
0xc4: {  	[tilespmem:s22], [sflag:$0x2] =	stream.indirect_vreg.gather [hbm4b:s0+s21], $0x80, v3, vm0, $0xb8;
	[tilespmem:$0x10C00] =	vst v63  }
0xc5: {  	s24 =	simm.s32 $0x8C00  }
0xc6: {  	[tilespmem:s24], [sflag:$0x2] =	stream.indirect_vreg.gather [hbm4b:s9+s21], $0x80, v3, vm0, $0xb8;
	[tilespmem:$0x10C00] =	vst v63  }
0xc7: {  	s22 =	simm.s32 $0x9400  }
0xc8: {  	[tilespmem:s22], [sflag:$0x2] =	stream.indirect_vreg.gather [hbm4b:s10+s21], $0x80, v3, vm0, $0xb8;
	[tilespmem:$0x10C00] =	vst v63  }
0xc9: {  	v3 =	vld [tilespmem:$0x990];
	_ =	sdelay $0x4  }
0xca: {  	v61 =	vshrl.u32 v3, $0x3  }
0xcb: {  	v4 =	vmul.u32 $0x30, v61  }
0xcc: {  	v3 =	vand.u32 $0x7, v3  }
0xcd: {  	v3 =	vor.u32 v3, v4  }
0xce: {  	v4 =	vperm.xlane v3, v0;
	_ =	sdelay $0x1  }
0xcf: {  	v4 =	vadd.s32 v1, v4;
	_ =	sdelay $0x3  }
0xd0: {  	s24 =	simm.s32 $0x9C00;
	v3 =	vperm.xlane v3, v2  }
0xd1: {  	[tilespmem:s24], [sflag:$0x2] =	stream.indirect_vreg.gather [hbm4b:s0+s21], $0x80, v4, vm0, $0xb8;
	[tilespmem:$0x10C00] =	vst v63  }
0xd2: {  	s22 =	simm.s32 $0xA400;
	v3 =	vadd.s32 v1, v3  }
0xd3: {  	[tilespmem:s22], [sflag:$0x2] =	stream.indirect_vreg.gather [hbm4b:s9+s21], $0x80, v4, vm0, $0xb8;
	[tilespmem:$0x10C00] =	vst v63  }
0xd4: {  	s24 =	simm.s32 $0xAC00  }
0xd5: {  	[tilespmem:s24], [sflag:$0x2] =	stream.indirect_vreg.gather [hbm4b:s10+s21], $0x80, v4, vm0, $0xb8;
	[tilespmem:$0x10C00] =	vst v63  }
0xd6: {  	s22 =	simm.s32 $0xB400  }
0xd7: {  	[tilespmem:s22], [sflag:$0x2] =	stream.indirect_vreg.gather [hbm4b:s0+s21], $0x80, v3, vm0, $0xb8;
	[tilespmem:$0x10C00] =	vst v63  }
0xd8: {  	s24 =	simm.s32 $0xBC00  }
0xd9: {  	[tilespmem:s24], [sflag:$0x2] =	stream.indirect_vreg.gather [hbm4b:s9+s21], $0x80, v3, vm0, $0xb8;
	[tilespmem:$0x10C00] =	vst v63  }
0xda: {  	s22 =	simm.s32 $0xC400  }
0xdb: {  	[tilespmem:s22], [sflag:$0x2] =	stream.indirect_vreg.gather [hbm4b:s10+s21], $0x80, v3, vm0, $0xb8;
	[tilespmem:$0x10C00] =	vst v63  }
0xdc: {  	s22 =	rddreg [dreg:$0xb]  }
0xdd: {  	[hbm4b:s22+s5] =	stream.strided.scatter [tilespmem:s17], [sflag:$0x3], $0x6000, s26, s5, $0x38;
	[tilespmem:$0x10C00] =	vst v63  }
0xde: {  	_ =	swait.ge [sflag:s28], $0x6000  }
0xdf: {  	[sflag:s28] =	ssyncset.done $0x0  }
0xe0: {  	[sflag:s28] =	ssyncadd.s32 $0xFFFFA000  }
0xe1: {  	_ =	swait.ge [sflag:s29], $0x6000  }
0xe2: {  	[sflag:s29] =	ssyncset.done $0x0  }
0xe3: {  	s24 =	rddreg [dreg:$0xc];
	[sflag:s29] =	ssyncadd.s32 $0xFFFFA000  }
0xe4: {  	[hbm4b:s24+s5] =	stream.strided.scatter [tilespmem:s23], [sflag:$0x4], $0x6000, s26, s5, $0x38;
	[tilespmem:$0x10C00] =	vst v63  }
0xe5: {  	_ =	swait.ge [sflag:s30], $0x6000  }
0xe6: {  	[sflag:s30] =	ssyncset.done $0x0  }
0xe7: {  	s24 =	simm.s32 $0x5;
	s12 =	rddreg [dreg:$0xd];
	[sflag:s30] =	ssyncadd.s32 $0xFFFFA000  }
0xe8: {  	[tilespmem:s21], [sflag:$0x5] =	stream.linear.gather [hbm4b:s12+s21], $0xA00, $0x38;
	[tilespmem:$0x10C00] =	vst v63  }
0xe9: {  	_ =	swait.ge [sflag:s24], $0xA00  }
0xea: {  	[sflag:s24] =	ssyncset.done $0x0  }
0xeb: {  	[sflag:s24] =	ssyncadd.s32 $0xFFFFF600  }
0xec: {  	v3 =	vld [tilespmem:$0x0];
	_ =	sdelay $0x4  }
0xed: {  	v62 =	vshrl.u32 v3, $0x3  }
0xee: {  	v4 =	vmul.u32 $0x30, v62  }
0xef: {  	v3 =	vand.u32 $0x7, v3  }
0xf0: {  	v3 =	vor.u32 v3, v4  }
0xf1: {  	v4 =	vperm.xlane v3, v0;
	_ =	sdelay $0x1  }
0xf2: {  	v4 =	vadd.s32 v1, v4;
	_ =	sdelay $0x3  }
0xf3: {  	v3 =	vperm.xlane v3, v2  }
0xf4: {  	[tilespmem:s17], [sflag:$0x1] =	stream.indirect_vreg.gather [hbm4b:s2+s21], $0x80, v4, vm0, $0xb8;
	[tilespmem:$0x10C00] =	vst v63  }
0xf5: {  	v3 =	vadd.s32 v1, v3  }
0xf6: {  	[tilespmem:s31], [sflag:$0x1] =	stream.indirect_vreg.gather [hbm4b:s14+s21], $0x80, v4, vm0, $0xb8;
	[tilespmem:$0x10C00] =	vst v63  }
0xf7: {  	_ = 	snop  }
0xf8: {  	[tilespmem:s1], [sflag:$0x1] =	stream.indirect_vreg.gather [hbm4b:s15+s21], $0x80, v4, vm0, $0xb8;
	[tilespmem:$0x10C00] =	vst v63  }
0xf9: {  	_ = 	snop  }
0xfa: {  	[tilespmem:s8], [sflag:$0x1] =	stream.indirect_vreg.gather [hbm4b:s2+s21], $0x80, v3, vm0, $0xb8;
	[tilespmem:$0x10C00] =	vst v63  }
0xfb: {  	_ = 	snop  }
0xfc: {  	[tilespmem:s13], [sflag:$0x1] =	stream.indirect_vreg.gather [hbm4b:s14+s21], $0x80, v3, vm0, $0xb8;
	[tilespmem:$0x10C00] =	vst v63  }
0xfd: {  	_ = 	snop  }
0xfe: {  	[tilespmem:s19], [sflag:$0x1] =	stream.indirect_vreg.gather [hbm4b:s15+s21], $0x80, v3, vm0, $0xb8;
	[tilespmem:$0x10C00] =	vst v63  }
0xff: {  	v3 =	vld [tilespmem:$0x10];
	_ =	sdelay $0x4  }
0x100: {  	v63 =	vshrl.u32 v3, $0x3  }
0x101: {  	v4 =	vmul.u32 $0x30, v63  }
0x102: {  	v3 =	vand.u32 $0x7, v3  }
0x103: {  	v3 =	vor.u32 v3, v4  }
0x104: {  	v4 =	vperm.xlane v3, v0;
	_ =	sdelay $0x1  }
0x105: {  	v4 =	vadd.s32 v1, v4;
	_ =	sdelay $0x3  }
0x106: {  	v3 =	vperm.xlane v3, v2  }
0x107: {  	[tilespmem:s20], [sflag:$0x1] =	stream.indirect_vreg.gather [hbm4b:s2+s21], $0x80, v4, vm0, $0xb8;
	[tilespmem:$0x10C00] =	vst v63  }
0x108: {  	v3 =	vadd.s32 v1, v3  }
0x109: {  	[tilespmem:s25], [sflag:$0x1] =	stream.indirect_vreg.gather [hbm4b:s14+s21], $0x80, v4, vm0, $0xb8;
	[tilespmem:$0x10C00] =	vst v63  }
0x10a: {  	s22 =	simm.s32 $0x5400;
	s20 =	simm.s32 $0x4C00  }
0x10b: {  	[tilespmem:s20], [sflag:$0x1] =	stream.indirect_vreg.gather [hbm4b:s15+s21], $0x80, v4, vm0, $0xb8;
	[tilespmem:$0x10C00] =	vst v63  }
0x10c: {  	s12 =	simm.s32 $0x1400;
	s24 =	simm.s32 $0x5C00;
	s17 =	simm.s32 $0xC00  }
0x10d: {  	[tilespmem:s22], [sflag:$0x1] =	stream.indirect_vreg.gather [hbm4b:s2+s21], $0x80, v3, vm0, $0xb8;
	[tilespmem:$0x10C00] =	vst v63  }
0x10e: {  	s31 =	simm.s32 $0x4C00;
	s1 =	simm.s32 $0x1C00;
	s8 =	simm.s32 $0x2400  }
0x10f: {  	[tilespmem:s24], [sflag:$0x1] =	stream.indirect_vreg.gather [hbm4b:s14+s21], $0x80, v3, vm0, $0xb8;
	[tilespmem:$0x10C00] =	vst v63  }
0x110: {  	s13 =	simm.s32 $0x2C00;
	s19 =	simm.s32 $0x3400;
	s25 =	simm.s32 $0x6400  }
0x111: {  	[tilespmem:s25], [sflag:$0x1] =	stream.indirect_vreg.gather [hbm4b:s15+s21], $0x80, v3, vm0, $0xb8;
	[tilespmem:$0x10C00] =	vst v63  }
0x112: {  	s20 =	simm.s32 $0x3C00;
	s22 =	simm.s32 $0x90;
	s25 =	simm.s32 $0x4400  }
.LBB2_4:
0x113: {  	_ =	swait.ge [sflag:s18], $0x6000  }
0x114: {  	[sflag:s18] =	ssyncset.done $0x0  }
0x115: {  	[sflag:s18] =	ssyncadd.s32 $0xFFFFA000  }
0x116: {  	v3 =	vld [tilespmem:s22+$0xFFFFFFF0];
	_ =	sdelay $0x4  }
0x117: {  	v4 =	vshrl.u32 v3, $0x3  }
0x118: {  	v4 =	vmul.u32 $0x30, v4  }
0x119: {  	v3 =	vand.u32 $0x7, v3  }
0x11a: {  	v3 =	vor.u32 v3, v4  }
0x11b: {  	v4 =	vperm.xlane v3, v0;
	_ =	sdelay $0x1  }
0x11c: {  	v4 =	vadd.s32 v1, v4;
	_ =	sdelay $0x3  }
0x11d: {  	v3 =	vperm.xlane v3, v2  }
0x11e: {  	[tilespmem:s23], [sflag:$0x2] =	stream.indirect_vreg.gather [hbm4b:s2+s7], $0x80, v4, vm0, $0xb8;
	[tilespmem:$0x10C00] =	vst v63  }
0x11f: {  	v3 =	vadd.s32 v1, v3  }
0x120: {  	[tilespmem:s11], [sflag:$0x2] =	stream.indirect_vreg.gather [hbm4b:s14+s7], $0x80, v4, vm0, $0xb8;
	[tilespmem:$0x10C00] =	vst v63  }
0x121: {  	s23 =	simm.s32 $0x7C00  }
0x122: {  	[tilespmem:s23], [sflag:$0x2] =	stream.indirect_vreg.gather [hbm4b:s15+s7], $0x80, v4, vm0, $0xb8;
	[tilespmem:$0x10C00] =	vst v63  }
0x123: {  	s24 =	simm.s32 $0x8400  }
0x124: {  	[tilespmem:s24], [sflag:$0x2] =	stream.indirect_vreg.gather [hbm4b:s2+s7], $0x80, v3, vm0, $0xb8;
	[tilespmem:$0x10C00] =	vst v63  }
0x125: {  	s23 =	simm.s32 $0x8C00  }
0x126: {  	[tilespmem:s23], [sflag:$0x2] =	stream.indirect_vreg.gather [hbm4b:s14+s7], $0x80, v3, vm0, $0xb8;
	[tilespmem:$0x10C00] =	vst v63  }
0x127: {  	s24 =	simm.s32 $0x9400  }
0x128: {  	[tilespmem:s24], [sflag:$0x2] =	stream.indirect_vreg.gather [hbm4b:s15+s7], $0x80, v3, vm0, $0xb8;
	[tilespmem:$0x10C00] =	vst v63  }
0x129: {  	v3 =	vld [tilespmem:s22+$0x0];
	_ =	sdelay $0x4  }
0x12a: {  	v61 =	vshrl.u32 v3, $0x3  }
0x12b: {  	v4 =	vmul.u32 $0x30, v61  }
0x12c: {  	v3 =	vand.u32 $0x7, v3  }
0x12d: {  	v3 =	vor.u32 v3, v4  }
0x12e: {  	v4 =	vperm.xlane v3, v0;
	_ =	sdelay $0x1  }
0x12f: {  	v4 =	vadd.s32 v1, v4;
	_ =	sdelay $0x3  }
0x130: {  	s23 =	simm.s32 $0x9C00;
	v3 =	vperm.xlane v3, v2  }
0x131: {  	[tilespmem:s23], [sflag:$0x2] =	stream.indirect_vreg.gather [hbm4b:s2+s7], $0x80, v4, vm0, $0xb8;
	[tilespmem:$0x10C00] =	vst v63  }
0x132: {  	s24 =	simm.s32 $0xA400;
	v3 =	vadd.s32 v1, v3  }
0x133: {  	[tilespmem:s24], [sflag:$0x2] =	stream.indirect_vreg.gather [hbm4b:s14+s7], $0x80, v4, vm0, $0xb8;
	[tilespmem:$0x10C00] =	vst v63  }
0x134: {  	s23 =	simm.s32 $0xAC00  }
0x135: {  	[tilespmem:s23], [sflag:$0x2] =	stream.indirect_vreg.gather [hbm4b:s15+s7], $0x80, v4, vm0, $0xb8;
	[tilespmem:$0x10C00] =	vst v63  }
0x136: {  	s24 =	simm.s32 $0xB400  }
0x137: {  	[tilespmem:s24], [sflag:$0x2] =	stream.indirect_vreg.gather [hbm4b:s2+s7], $0x80, v3, vm0, $0xb8;
	[tilespmem:$0x10C00] =	vst v63  }
0x138: {  	s23 =	simm.s32 $0xBC00  }
0x139: {  	[tilespmem:s23], [sflag:$0x2] =	stream.indirect_vreg.gather [hbm4b:s14+s7], $0x80, v3, vm0, $0xb8;
	[tilespmem:$0x10C00] =	vst v63  }
0x13a: {  	s24 =	simm.s32 $0xC400;
	s23 =	rddreg [dreg:$0x8]  }
0x13b: {  	[tilespmem:s24], [sflag:$0x2] =	stream.indirect_vreg.gather [hbm4b:s15+s7], $0x80, v3, vm0, $0xb8;
	[tilespmem:$0x10C00] =	vst v63  }
0x13c: {  	s23 =	sadd.s32 s21, s23  }
0x13d: {  	[hbm4b:s23+s5] =	stream.strided.scatter [tilespmem:s17], [sflag:$0x3], $0x6000, s26, s5, $0x38;
	[tilespmem:$0x10C00] =	vst v63  }
0x13e: {  	_ =	swait.ge [sflag:s28], $0x6000  }
0x13f: {  	[sflag:s28] =	ssyncset.done $0x0  }
0x140: {  	[sflag:s28] =	ssyncadd.s32 $0xFFFFA000  }
0x141: {  	_ =	swait.ge [sflag:s29], $0x6000  }
0x142: {  	[sflag:s29] =	ssyncset.done $0x0  }
0x143: {  	[sflag:s29] =	ssyncadd.s32 $0xFFFFA000  }
0x144: {  	v3 =	vld [tilespmem:s22+$0x70];
	_ =	sdelay $0x4  }
0x145: {  	v62 =	vshrl.u32 v3, $0x3  }
0x146: {  	v4 =	vmul.u32 $0x30, v62  }
0x147: {  	v3 =	vand.u32 $0x7, v3  }
0x148: {  	v3 =	vor.u32 v3, v4  }
0x149: {  	v4 =	vperm.xlane v3, v0;
	_ =	sdelay $0x1  }
0x14a: {  	v4 =	vadd.s32 v1, v4;
	_ =	sdelay $0x3  }
0x14b: {  	v3 =	vperm.xlane v3, v2  }
0x14c: {  	[tilespmem:s17], [sflag:$0x1] =	stream.indirect_vreg.gather [hbm4b:s2+s7], $0x80, v4, vm0, $0xb8;
	[tilespmem:$0x10C00] =	vst v63  }
0x14d: {  	v3 =	vadd.s32 v1, v3  }
0x14e: {  	[tilespmem:s12], [sflag:$0x1] =	stream.indirect_vreg.gather [hbm4b:s14+s7], $0x80, v4, vm0, $0xb8;
	[tilespmem:$0x10C00] =	vst v63  }
0x14f: {  	_ = 	snop  }
0x150: {  	[tilespmem:s1], [sflag:$0x1] =	stream.indirect_vreg.gather [hbm4b:s15+s7], $0x80, v4, vm0, $0xb8;
	[tilespmem:$0x10C00] =	vst v63  }
0x151: {  	_ = 	snop  }
0x152: {  	[tilespmem:s8], [sflag:$0x1] =	stream.indirect_vreg.gather [hbm4b:s2+s7], $0x80, v3, vm0, $0xb8;
	[tilespmem:$0x10C00] =	vst v63  }
0x153: {  	_ = 	snop  }
0x154: {  	[tilespmem:s13], [sflag:$0x1] =	stream.indirect_vreg.gather [hbm4b:s14+s7], $0x80, v3, vm0, $0xb8;
	[tilespmem:$0x10C00] =	vst v63  }
0x155: {  	_ = 	snop  }
0x156: {  	[tilespmem:s19], [sflag:$0x1] =	stream.indirect_vreg.gather [hbm4b:s15+s7], $0x80, v3, vm0, $0xb8;
	[tilespmem:$0x10C00] =	vst v63  }
0x157: {  	v3 =	vld [tilespmem:s22+$0x80];
	_ =	sdelay $0x4  }
0x158: {  	v63 =	vshrl.u32 v3, $0x3  }
0x159: {  	v4 =	vmul.u32 $0x30, v63  }
0x15a: {  	v3 =	vand.u32 $0x7, v3  }
0x15b: {  	v3 =	vor.u32 v3, v4  }
0x15c: {  	v4 =	vperm.xlane v3, v0;
	_ =	sdelay $0x1  }
0x15d: {  	v4 =	vadd.s32 v1, v4;
	_ =	sdelay $0x3  }
0x15e: {  	v3 =	vperm.xlane v3, v2  }
0x15f: {  	[tilespmem:s20], [sflag:$0x1] =	stream.indirect_vreg.gather [hbm4b:s2+s7], $0x80, v4, vm0, $0xb8;
	[tilespmem:$0x10C00] =	vst v63  }
0x160: {  	v3 =	vadd.s32 v1, v3  }
0x161: {  	[tilespmem:s25], [sflag:$0x1] =	stream.indirect_vreg.gather [hbm4b:s14+s7], $0x80, v4, vm0, $0xb8;
	[tilespmem:$0x10C00] =	vst v63  }
0x162: {  	_ = 	snop  }
0x163: {  	[tilespmem:s31], [sflag:$0x1] =	stream.indirect_vreg.gather [hbm4b:s15+s7], $0x80, v4, vm0, $0xb8;
	[tilespmem:$0x10C00] =	vst v63  }
0x164: {  	s24 =	simm.s32 $0x5400  }
0x165: {  	[tilespmem:s24], [sflag:$0x1] =	stream.indirect_vreg.gather [hbm4b:s2+s7], $0x80, v3, vm0, $0xb8;
	[tilespmem:$0x10C00] =	vst v63  }
0x166: {  	s24 =	simm.s32 $0x5C00  }
0x167: {  	[tilespmem:s24], [sflag:$0x1] =	stream.indirect_vreg.gather [hbm4b:s14+s7], $0x80, v3, vm0, $0xb8;
	[tilespmem:$0x10C00] =	vst v63  }
0x168: {  	p0 =	sne.s32 s21, $0x24000;
	s23 =	rddreg [dreg:$0x9];
	s24 =	simm.s32 $0x6400  }
0x169: {  	[tilespmem:s24], [sflag:$0x1] =	stream.indirect_vreg.gather [hbm4b:s15+s7], $0x80, v3, vm0, $0xb8;
	[tilespmem:$0x10C00] =	vst v63  }
.Ltmp1:
0x16a: {  	s11 =	simm.s32 $0x6C00;
	s23 =	sadd.s32 s21, s23;
	(pc) =	sbr.rel @p0 .LBB2_4-.Ltmp1, $4  }
0x16b: {  	[hbm4b:s23+s5] =	stream.strided.scatter [tilespmem:s11], [sflag:$0x4], $0x6000, s26, s5, $0x38;
	[tilespmem:$0x10C00] =	vst v63  }
0x16c: {  	_ =	swait.ge [sflag:s30], $0x6000  }
0x16d: {  	s21 =	sadd.s32 $0x4800, s21;
	s22 =	sadd.s32 $0x100, s22;
	[sflag:s30] =	ssyncset.done $0x0  }
0x16e: {  	s11 =	simm.s32 $0x7400;
	s23 =	simm.s32 $0x6C00;
	[sflag:s30] =	ssyncadd.s32 $0xFFFFA000  }
0x16f: {  	_ =	swait.ge [sflag:s18], $0x6000  }
0x170: {  	[sflag:s18] =	ssyncset.done $0x0  }
0x171: {  	[sflag:s18] =	ssyncadd.s32 $0xFFFFA000  }
0x172: {  	v3 =	vld [tilespmem:$0x980];
	_ =	sdelay $0x4  }
0x173: {  	v4 =	vshrl.u32 v3, $0x3  }
0x174: {  	v4 =	vmul.u32 $0x30, v4  }
0x175: {  	v3 =	vand.u32 $0x7, v3  }
0x176: {  	v3 =	vor.u32 v3, v4  }
0x177: {  	v4 =	vperm.xlane v3, v0;
	_ =	sdelay $0x1  }
0x178: {  	v4 =	vadd.s32 v1, v4;
	_ =	sdelay $0x3  }
0x179: {  	s21 =	simm.s32 $0x0;
	v3 =	vperm.xlane v3, v2  }
0x17a: {  	[tilespmem:s23], [sflag:$0x2] =	stream.indirect_vreg.gather [hbm4b:s2+s21], $0x80, v4, vm0, $0xb8;
	[tilespmem:$0x10C00] =	vst v63  }
0x17b: {  	v3 =	vadd.s32 v1, v3  }
0x17c: {  	[tilespmem:s11], [sflag:$0x2] =	stream.indirect_vreg.gather [hbm4b:s14+s21], $0x80, v4, vm0, $0xb8;
	[tilespmem:$0x10C00] =	vst v63  }
0x17d: {  	s1 =	simm.s32 $0x7C00  }
0x17e: {  	[tilespmem:s1], [sflag:$0x2] =	stream.indirect_vreg.gather [hbm4b:s15+s21], $0x80, v4, vm0, $0xb8;
	[tilespmem:$0x10C00] =	vst v63  }
0x17f: {  	s22 =	simm.s32 $0x8400  }
0x180: {  	[tilespmem:s22], [sflag:$0x2] =	stream.indirect_vreg.gather [hbm4b:s2+s21], $0x80, v3, vm0, $0xb8;
	[tilespmem:$0x10C00] =	vst v63  }
0x181: {  	s24 =	simm.s32 $0x8C00  }
0x182: {  	[tilespmem:s24], [sflag:$0x2] =	stream.indirect_vreg.gather [hbm4b:s14+s21], $0x80, v3, vm0, $0xb8;
	[tilespmem:$0x10C00] =	vst v63  }
0x183: {  	s25 =	simm.s32 $0x9400  }
0x184: {  	[tilespmem:s25], [sflag:$0x2] =	stream.indirect_vreg.gather [hbm4b:s15+s21], $0x80, v3, vm0, $0xb8;
	[tilespmem:$0x10C00] =	vst v63  }
0x185: {  	v3 =	vld [tilespmem:$0x990];
	_ =	sdelay $0x4  }
0x186: {  	v61 =	vshrl.u32 v3, $0x3  }
0x187: {  	v4 =	vmul.u32 $0x30, v61  }
0x188: {  	v3 =	vand.u32 $0x7, v3  }
0x189: {  	v3 =	vor.u32 v3, v4  }
0x18a: {  	v4 =	vperm.xlane v3, v0;
	_ =	sdelay $0x1  }
0x18b: {  	v4 =	vadd.s32 v1, v4;
	_ =	sdelay $0x3  }
0x18c: {  	s8 =	simm.s32 $0x9C00;
	v3 =	vperm.xlane v3, v2  }
0x18d: {  	[tilespmem:s8], [sflag:$0x2] =	stream.indirect_vreg.gather [hbm4b:s2+s21], $0x80, v4, vm0, $0xb8;
	[tilespmem:$0x10C00] =	vst v63  }
0x18e: {  	s12 =	simm.s32 $0xA400;
	v3 =	vadd.s32 v1, v3  }
0x18f: {  	[tilespmem:s12], [sflag:$0x2] =	stream.indirect_vreg.gather [hbm4b:s14+s21], $0x80, v4, vm0, $0xb8;
	[tilespmem:$0x10C00] =	vst v63  }
0x190: {  	s13 =	simm.s32 $0xAC00  }
0x191: {  	[tilespmem:s13], [sflag:$0x2] =	stream.indirect_vreg.gather [hbm4b:s15+s21], $0x80, v4, vm0, $0xb8;
	[tilespmem:$0x10C00] =	vst v63  }
0x192: {  	s19 =	simm.s32 $0xB400  }
0x193: {  	[tilespmem:s19], [sflag:$0x2] =	stream.indirect_vreg.gather [hbm4b:s2+s21], $0x80, v3, vm0, $0xb8;
	[tilespmem:$0x10C00] =	vst v63  }
0x194: {  	s20 =	simm.s32 $0xBC00  }
0x195: {  	[tilespmem:s20], [sflag:$0x2] =	stream.indirect_vreg.gather [hbm4b:s14+s21], $0x80, v3, vm0, $0xb8;
	[tilespmem:$0x10C00] =	vst v63  }
0x196: {  	s22 =	simm.s32 $0xC400  }
0x197: {  	[tilespmem:s22], [sflag:$0x2] =	stream.indirect_vreg.gather [hbm4b:s15+s21], $0x80, v3, vm0, $0xb8;
	[tilespmem:$0x10C00] =	vst v63  }
0x198: {  	s22 =	rddreg [dreg:$0xe]  }
0x199: {  	[hbm4b:s22+s5] =	stream.strided.scatter [tilespmem:s17], [sflag:$0x3], $0x6000, s26, s5, $0x38;
	[tilespmem:$0x10C00] =	vst v63  }
0x19a: {  	_ =	swait.ge [sflag:s28], $0x6000  }
0x19b: {  	[sflag:s28] =	ssyncset.done $0x0  }
0x19c: {  	[sflag:s28] =	ssyncadd.s32 $0xFFFFA000  }
0x19d: {  	_ =	swait.ge [sflag:s29], $0x6000  }
0x19e: {  	[sflag:s29] =	ssyncset.done $0x0  }
0x19f: {  	s24 =	rddreg [dreg:$0x10];
	[sflag:s29] =	ssyncadd.s32 $0xFFFFA000  }
0x1a0: {  	[hbm4b:s24+s5] =	stream.strided.scatter [tilespmem:s23], [sflag:$0x4], $0x6000, s26, s5, $0x38;
	[tilespmem:$0x10C00] =	vst v63  }
0x1a1: {  	_ =	swait.ge [sflag:s30], $0x6000  }
0x1a2: {  	[sflag:s30] =	ssyncset.done $0x0  }
0x1a3: {  	s25 =	simm.s32 $0x5;
	s12 =	rddreg [dreg:$0x11];
	[sflag:s30] =	ssyncadd.s32 $0xFFFFA000  }
0x1a4: {  	[tilespmem:s21], [sflag:$0x5] =	stream.linear.gather [hbm4b:s12+s21], $0xA00, $0x38;
	[tilespmem:$0x10C00] =	vst v63  }
0x1a5: {  	_ =	swait.ge [sflag:s25], $0xA00  }
0x1a6: {  	[sflag:s25] =	ssyncset.done $0x0  }
0x1a7: {  	[sflag:s25] =	ssyncadd.s32 $0xFFFFF600  }
0x1a8: {  	v3 =	vld [tilespmem:$0x0];
	_ =	sdelay $0x4  }
0x1a9: {  	v62 =	vshll.u32 v3, $0x1  }
0x1aa: {  	v3 =	vand.u32 $0x7, v3;
	v4 =	vand.u32 $0xFFFFFFF0, v62  }
0x1ab: {  	v3 =	vor.u32 v3, v4  }
0x1ac: {  	v4 =	vperm.xlane v3, v0;
	_ =	sdelay $0x1  }
0x1ad: {  	v3 =	vperm.xlane v3, v2;
	v4 =	vadd.s32 v1, v4;
	_ =	sdelay $0x1  }
0x1ae: {  	v3 =	vadd.s32 v1, v3;
	_ =	sdelay $0x1  }
0x1af: {  	s1 =	simm.s32 $0xCC00  }
0x1b0: {  	[tilespmem:s1], [sflag:$0x1] =	stream.indirect_vreg.gather [hbm4b:s3+s21], $0x80, v4, vm0, $0xb8;
	[tilespmem:$0x10C00] =	vst v63  }
0x1b1: {  	s5 =	simm.s32 $0xD400  }
0x1b2: {  	[tilespmem:s5], [sflag:$0x1] =	stream.indirect_vreg.gather [hbm4b:s3+s21], $0x80, v3, vm0, $0xb8;
	[tilespmem:$0x10C00] =	vst v63  }
0x1b3: {  	v3 =	vld [tilespmem:$0x10];
	_ =	sdelay $0x4  }
0x1b4: {  	v63 =	vshll.u32 v3, $0x1  }
0x1b5: {  	v3 =	vand.u32 $0x7, v3;
	v4 =	vand.u32 $0xFFFFFFF0, v63  }
0x1b6: {  	v3 =	vor.u32 v3, v4  }
0x1b7: {  	v4 =	vperm.xlane v3, v0;
	_ =	sdelay $0x1  }
0x1b8: {  	v3 =	vperm.xlane v3, v2;
	v4 =	vadd.s32 v1, v4;
	_ =	sdelay $0x1  }
0x1b9: {  	v3 =	vadd.s32 v1, v3  }
0x1ba: {  	s31 =	simm.s32 $0x10400;
	s8 =	simm.s32 $0xDC00;
	s13 =	simm.s32 $0xE400  }
0x1bb: {  	s20 =	simm.s32 $0xF400;
	s22 =	simm.s32 $0x90;
	s12 =	rddreg [dreg:$0x1b]  }
0x1bc: {  	[tilespmem:s8], [sflag:$0x1] =	stream.indirect_vreg.gather [hbm4b:s3+s21], $0x80, v4, vm0, $0xb8;
	[tilespmem:$0x10C00] =	vst v63  }
0x1bd: {  	s17 =	simm.s32 $0xEC00;
	s19 =	rddreg [dreg:$0x1c];
	s25 =	simm.s32 $0xFC00  }
0x1be: {  	[tilespmem:s13], [sflag:$0x1] =	stream.indirect_vreg.gather [hbm4b:s3+s21], $0x80, v3, vm0, $0xb8;
	[tilespmem:$0x10C00] =	vst v63  }
.LBB2_6:
0x1bf: {  	_ =	swait.ge [sflag:s18], $0x2000  }
0x1c0: {  	[sflag:s18] =	ssyncset.done $0x0  }
0x1c1: {  	[sflag:s18] =	ssyncadd.s32 $0xFFFFE000  }
0x1c2: {  	v3 =	vld [tilespmem:s22+$0xFFFFFFF0];
	_ =	sdelay $0x4  }
0x1c3: {  	v4 =	vshll.u32 v3, $0x1  }
0x1c4: {  	v3 =	vand.u32 $0x7, v3;
	v4 =	vand.u32 $0xFFFFFFF0, v4  }
0x1c5: {  	v3 =	vor.u32 v3, v4  }
0x1c6: {  	v4 =	vperm.xlane v3, v0;
	_ =	sdelay $0x1  }
0x1c7: {  	v3 =	vperm.xlane v3, v2;
	v4 =	vadd.s32 v1, v4;
	_ =	sdelay $0x1  }
0x1c8: {  	v3 =	vadd.s32 v1, v3;
	_ =	sdelay $0x2  }
0x1c9: {  	[tilespmem:s17], [sflag:$0x2] =	stream.indirect_vreg.gather [hbm4b:s3+s7], $0x80, v4, vm0, $0xb8;
	[tilespmem:$0x10C00] =	vst v63  }
0x1ca: {  	_ = 	snop  }
0x1cb: {  	[tilespmem:s20], [sflag:$0x2] =	stream.indirect_vreg.gather [hbm4b:s3+s7], $0x80, v3, vm0, $0xb8;
	[tilespmem:$0x10C00] =	vst v63  }
0x1cc: {  	v3 =	vld [tilespmem:s22+$0x0];
	_ =	sdelay $0x4  }
0x1cd: {  	v61 =	vshll.u32 v3, $0x1  }
0x1ce: {  	v3 =	vand.u32 $0x7, v3;
	v4 =	vand.u32 $0xFFFFFFF0, v61  }
0x1cf: {  	v3 =	vor.u32 v3, v4  }
0x1d0: {  	v4 =	vperm.xlane v3, v0;
	_ =	sdelay $0x1  }
0x1d1: {  	v3 =	vperm.xlane v3, v2;
	v4 =	vadd.s32 v1, v4;
	_ =	sdelay $0x1  }
0x1d2: {  	v3 =	vadd.s32 v1, v3;
	_ =	sdelay $0x2  }
0x1d3: {  	[tilespmem:s25], [sflag:$0x2] =	stream.indirect_vreg.gather [hbm4b:s3+s7], $0x80, v4, vm0, $0xb8;
	[tilespmem:$0x10C00] =	vst v63  }
0x1d4: {  	_ = 	snop  }
0x1d5: {  	[tilespmem:s31], [sflag:$0x2] =	stream.indirect_vreg.gather [hbm4b:s3+s7], $0x80, v3, vm0, $0xb8;
	[tilespmem:$0x10C00] =	vst v63  }
0x1d6: {  	s23 =	sadd.s32 s21, s12  }
0x1d7: {  	[hbm4b:s23+s16] =	stream.strided.scatter [tilespmem:s1], [sflag:$0x3], $0x2000, s26, s16, $0x38;
	[tilespmem:$0x10C00] =	vst v63  }
0x1d8: {  	_ =	swait.ge [sflag:s28], $0x2000  }
0x1d9: {  	[sflag:s28] =	ssyncset.done $0x0  }
0x1da: {  	[sflag:s28] =	ssyncadd.s32 $0xFFFFE000  }
0x1db: {  	_ =	swait.ge [sflag:s29], $0x2000  }
0x1dc: {  	[sflag:s29] =	ssyncset.done $0x0  }
0x1dd: {  	[sflag:s29] =	ssyncadd.s32 $0xFFFFE000  }
0x1de: {  	v3 =	vld [tilespmem:s22+$0x70];
	_ =	sdelay $0x4  }
0x1df: {  	v62 =	vshll.u32 v3, $0x1  }
0x1e0: {  	v3 =	vand.u32 $0x7, v3;
	v4 =	vand.u32 $0xFFFFFFF0, v62  }
0x1e1: {  	v3 =	vor.u32 v3, v4  }
0x1e2: {  	v4 =	vperm.xlane v3, v0;
	_ =	sdelay $0x1  }
0x1e3: {  	v3 =	vperm.xlane v3, v2;
	v4 =	vadd.s32 v1, v4;
	_ =	sdelay $0x1  }
0x1e4: {  	v3 =	vadd.s32 v1, v3;
	_ =	sdelay $0x2  }
0x1e5: {  	[tilespmem:s1], [sflag:$0x1] =	stream.indirect_vreg.gather [hbm4b:s3+s7], $0x80, v4, vm0, $0xb8;
	[tilespmem:$0x10C00] =	vst v63  }
0x1e6: {  	_ = 	snop  }
0x1e7: {  	[tilespmem:s5], [sflag:$0x1] =	stream.indirect_vreg.gather [hbm4b:s3+s7], $0x80, v3, vm0, $0xb8;
	[tilespmem:$0x10C00] =	vst v63  }
0x1e8: {  	v3 =	vld [tilespmem:s22+$0x80];
	_ =	sdelay $0x4  }
0x1e9: {  	v63 =	vshll.u32 v3, $0x1  }
0x1ea: {  	v3 =	vand.u32 $0x7, v3;
	v4 =	vand.u32 $0xFFFFFFF0, v63  }
0x1eb: {  	v3 =	vor.u32 v3, v4  }
0x1ec: {  	v4 =	vperm.xlane v3, v0;
	_ =	sdelay $0x1  }
0x1ed: {  	v3 =	vperm.xlane v3, v2;
	v4 =	vadd.s32 v1, v4;
	_ =	sdelay $0x1  }
0x1ee: {  	v3 =	vadd.s32 v1, v3;
	_ =	sdelay $0x2  }
0x1ef: {  	[tilespmem:s8], [sflag:$0x1] =	stream.indirect_vreg.gather [hbm4b:s3+s7], $0x80, v4, vm0, $0xb8;
	[tilespmem:$0x10C00] =	vst v63  }
0x1f0: {  	p0 =	sne.s32 s21, $0x24000  }
0x1f1: {  	[tilespmem:s13], [sflag:$0x1] =	stream.indirect_vreg.gather [hbm4b:s3+s7], $0x80, v3, vm0, $0xb8;
	[tilespmem:$0x10C00] =	vst v63  }
.Ltmp2:
0x1f2: {  	s24 =	sadd.s32 s21, s19;
	(pc) =	sbr.rel @p0 .LBB2_6-.Ltmp2, $4  }
0x1f3: {  	[hbm4b:s24+s16] =	stream.strided.scatter [tilespmem:s17], [sflag:$0x4], $0x2000, s26, s16, $0x38;
	[tilespmem:$0x10C00] =	vst v63  }
0x1f4: {  	_ =	swait.ge [sflag:s30], $0x2000  }
0x1f5: {  	[sflag:s30] =	ssyncset.done $0x0  }
0x1f6: {  	s21 =	sadd.s32 $0x4800, s21;
	s22 =	sadd.s32 $0x100, s22;
	[sflag:s30] =	ssyncadd.s32 $0xFFFFE000  }
0x1f7: {  	_ =	swait.ge [sflag:s18], $0x2000  }
0x1f8: {  	[sflag:s18] =	ssyncset.done $0x0  }
0x1f9: {  	[sflag:s18] =	ssyncadd.s32 $0xFFFFE000  }
0x1fa: {  	v3 =	vld [tilespmem:$0x980];
	_ =	sdelay $0x4  }
0x1fb: {  	v4 =	vshll.u32 v3, $0x1  }
0x1fc: {  	v3 =	vand.u32 $0x7, v3;
	v4 =	vand.u32 $0xFFFFFFF0, v4  }
0x1fd: {  	v3 =	vor.u32 v3, v4  }
0x1fe: {  	v4 =	vperm.xlane v3, v0;
	_ =	sdelay $0x1  }
0x1ff: {  	v3 =	vperm.xlane v3, v2;
	v4 =	vadd.s32 v1, v4;
	_ =	sdelay $0x1  }
0x200: {  	v3 =	vadd.s32 v1, v3;
	_ =	sdelay $0x1  }
0x201: {  	s21 =	simm.s32 $0x0  }
0x202: {  	[tilespmem:s17], [sflag:$0x2] =	stream.indirect_vreg.gather [hbm4b:s3+s21], $0x80, v4, vm0, $0xb8;
	[tilespmem:$0x10C00] =	vst v63  }
0x203: {  	_ = 	snop  }
0x204: {  	[tilespmem:s20], [sflag:$0x2] =	stream.indirect_vreg.gather [hbm4b:s3+s21], $0x80, v3, vm0, $0xb8;
	[tilespmem:$0x10C00] =	vst v63  }
0x205: {  	v3 =	vld [tilespmem:$0x990];
	_ =	sdelay $0x4  }
0x206: {  	v61 =	vshll.u32 v3, $0x1  }
0x207: {  	v3 =	vand.u32 $0x7, v3;
	v4 =	vand.u32 $0xFFFFFFF0, v61  }
0x208: {  	v3 =	vor.u32 v3, v4  }
0x209: {  	v4 =	vperm.xlane v3, v0;
	_ =	sdelay $0x1  }
0x20a: {  	v3 =	vperm.xlane v3, v2;
	v4 =	vadd.s32 v1, v4;
	_ =	sdelay $0x1  }
0x20b: {  	v3 =	vadd.s32 v1, v3;
	_ =	sdelay $0x2  }
0x20c: {  	[tilespmem:s25], [sflag:$0x2] =	stream.indirect_vreg.gather [hbm4b:s3+s21], $0x80, v4, vm0, $0xb8;
	[tilespmem:$0x10C00] =	vst v63  }
0x20d: {  	_ = 	snop  }
0x20e: {  	[tilespmem:s31], [sflag:$0x2] =	stream.indirect_vreg.gather [hbm4b:s3+s21], $0x80, v3, vm0, $0xb8;
	[tilespmem:$0x10C00] =	vst v63  }
0x20f: {  	s12 =	rddreg [dreg:$0x12]  }
0x210: {  	[hbm4b:s12+s16] =	stream.strided.scatter [tilespmem:s1], [sflag:$0x3], $0x2000, s26, s16, $0x38;
	[tilespmem:$0x10C00] =	vst v63  }
0x211: {  	_ =	swait.ge [sflag:s28], $0x2000  }
0x212: {  	[sflag:s28] =	ssyncset.done $0x0  }
0x213: {  	[sflag:s28] =	ssyncadd.s32 $0xFFFFE000  }
0x214: {  	_ =	swait.ge [sflag:s29], $0x2000  }
0x215: {  	[sflag:s29] =	ssyncset.done $0x0  }
0x216: {  	s24 =	rddreg [dreg:$0x13];
	[sflag:s29] =	ssyncadd.s32 $0xFFFFE000  }
0x217: {  	[hbm4b:s24+s16] =	stream.strided.scatter [tilespmem:s17], [sflag:$0x4], $0x2000, s26, s16, $0x38;
	[tilespmem:$0x10C00] =	vst v63  }
0x218: {  	_ =	swait.ge [sflag:s30], $0x2000  }
0x219: {  	[sflag:s30] =	ssyncset.done $0x0  }
0x21a: {  	s25 =	rddreg [dreg:$0x14];
	[sflag:s30] =	ssyncadd.s32 $0xFFFFE000  }
0x21b: {  	[tilespmem:s21], [sflag:$0x5] =	stream.linear.gather [hbm4b:s25+s21], $0xA00, $0x38;
	[tilespmem:$0x10C00] =	vst v63  }
0x21c: {  	s25 =	simm.s32 $0x5  }
0x21d: {  	_ =	swait.ge [sflag:s25], $0xA00  }
0x21e: {  	[sflag:s25] =	ssyncset.done $0x0  }
0x21f: {  	[sflag:s25] =	ssyncadd.s32 $0xFFFFF600  }
0x220: {  	v3 =	vld [tilespmem:$0x0];
	_ =	sdelay $0x4  }
0x221: {  	v62 =	vshll.u32 v3, $0x1  }
0x222: {  	v3 =	vand.u32 $0x7, v3;
	v4 =	vand.u32 $0xFFFFFFF0, v62  }
0x223: {  	v3 =	vor.u32 v3, v4  }
0x224: {  	v4 =	vperm.xlane v3, v0;
	_ =	sdelay $0x1  }
0x225: {  	v3 =	vperm.xlane v3, v2;
	v4 =	vadd.s32 v1, v4;
	_ =	sdelay $0x1  }
0x226: {  	v3 =	vadd.s32 v1, v3;
	_ =	sdelay $0x2  }
0x227: {  	[tilespmem:s1], [sflag:$0x1] =	stream.indirect_vreg.gather [hbm4b:s4+s21], $0x80, v4, vm0, $0xb8;
	[tilespmem:$0x10C00] =	vst v63  }
0x228: {  	_ = 	snop  }
0x229: {  	[tilespmem:s5], [sflag:$0x1] =	stream.indirect_vreg.gather [hbm4b:s4+s21], $0x80, v3, vm0, $0xb8;
	[tilespmem:$0x10C00] =	vst v63  }
0x22a: {  	v3 =	vld [tilespmem:$0x10];
	_ =	sdelay $0x4  }
0x22b: {  	v63 =	vshll.u32 v3, $0x1  }
0x22c: {  	v3 =	vand.u32 $0x7, v3;
	v4 =	vand.u32 $0xFFFFFFF0, v63  }
0x22d: {  	v3 =	vor.u32 v3, v4  }
0x22e: {  	v4 =	vperm.xlane v3, v0;
	_ =	sdelay $0x1  }
0x22f: {  	v3 =	vperm.xlane v3, v2;
	v4 =	vadd.s32 v1, v4;
	_ =	sdelay $0x1  }
0x230: {  	v3 =	vadd.s32 v1, v3;
	_ =	sdelay $0x1  }
0x231: {  	s24 =	rddreg [dreg:$0x1d]  }
0x232: {  	[tilespmem:s8], [sflag:$0x1] =	stream.indirect_vreg.gather [hbm4b:s4+s21], $0x80, v4, vm0, $0xb8;
	[tilespmem:$0x10C00] =	vst v63  }
0x233: {  	s22 =	simm.s32 $0x90;
	s19 =	simm.s32 $0xFC00;
	s12 =	rddreg [dreg:$0x1e]  }
0x234: {  	[tilespmem:s13], [sflag:$0x1] =	stream.indirect_vreg.gather [hbm4b:s4+s21], $0x80, v3, vm0, $0xb8;
	[tilespmem:$0x10C00] =	vst v63  }
.LBB2_8:
0x235: {  	_ =	swait.ge [sflag:s18], $0x2000  }
0x236: {  	[sflag:s18] =	ssyncset.done $0x0  }
0x237: {  	[sflag:s18] =	ssyncadd.s32 $0xFFFFE000  }
0x238: {  	v3 =	vld [tilespmem:s22+$0xFFFFFFF0];
	_ =	sdelay $0x4  }
0x239: {  	v4 =	vshll.u32 v3, $0x1  }
0x23a: {  	v3 =	vand.u32 $0x7, v3;
	v4 =	vand.u32 $0xFFFFFFF0, v4  }
0x23b: {  	v3 =	vor.u32 v3, v4  }
0x23c: {  	v4 =	vperm.xlane v3, v0;
	_ =	sdelay $0x1  }
0x23d: {  	v3 =	vperm.xlane v3, v2;
	v4 =	vadd.s32 v1, v4;
	_ =	sdelay $0x1  }
0x23e: {  	v3 =	vadd.s32 v1, v3;
	_ =	sdelay $0x2  }
0x23f: {  	[tilespmem:s17], [sflag:$0x2] =	stream.indirect_vreg.gather [hbm4b:s4+s7], $0x80, v4, vm0, $0xb8;
	[tilespmem:$0x10C00] =	vst v63  }
0x240: {  	_ = 	snop  }
0x241: {  	[tilespmem:s20], [sflag:$0x2] =	stream.indirect_vreg.gather [hbm4b:s4+s7], $0x80, v3, vm0, $0xb8;
	[tilespmem:$0x10C00] =	vst v63  }
0x242: {  	v3 =	vld [tilespmem:s22+$0x0];
	_ =	sdelay $0x4  }
0x243: {  	v61 =	vshll.u32 v3, $0x1  }
0x244: {  	v3 =	vand.u32 $0x7, v3;
	v4 =	vand.u32 $0xFFFFFFF0, v61  }
0x245: {  	v3 =	vor.u32 v3, v4  }
0x246: {  	v4 =	vperm.xlane v3, v0;
	_ =	sdelay $0x1  }
0x247: {  	v3 =	vperm.xlane v3, v2;
	v4 =	vadd.s32 v1, v4;
	_ =	sdelay $0x1  }
0x248: {  	v3 =	vadd.s32 v1, v3;
	_ =	sdelay $0x2  }
0x249: {  	[tilespmem:s19], [sflag:$0x2] =	stream.indirect_vreg.gather [hbm4b:s4+s7], $0x80, v4, vm0, $0xb8;
	[tilespmem:$0x10C00] =	vst v63  }
0x24a: {  	_ = 	snop  }
0x24b: {  	[tilespmem:s31], [sflag:$0x2] =	stream.indirect_vreg.gather [hbm4b:s4+s7], $0x80, v3, vm0, $0xb8;
	[tilespmem:$0x10C00] =	vst v63  }
0x24c: {  	s23 =	sadd.s32 s21, s24  }
0x24d: {  	[hbm4b:s23+s16] =	stream.strided.scatter [tilespmem:s1], [sflag:$0x3], $0x2000, s26, s16, $0x38;
	[tilespmem:$0x10C00] =	vst v63  }
0x24e: {  	_ =	swait.ge [sflag:s28], $0x2000  }
0x24f: {  	[sflag:s28] =	ssyncset.done $0x0  }
0x250: {  	[sflag:s28] =	ssyncadd.s32 $0xFFFFE000  }
0x251: {  	_ =	swait.ge [sflag:s29], $0x2000  }
0x252: {  	[sflag:s29] =	ssyncset.done $0x0  }
0x253: {  	[sflag:s29] =	ssyncadd.s32 $0xFFFFE000  }
0x254: {  	v3 =	vld [tilespmem:s22+$0x70];
	_ =	sdelay $0x4  }
0x255: {  	v62 =	vshll.u32 v3, $0x1  }
0x256: {  	v3 =	vand.u32 $0x7, v3;
	v4 =	vand.u32 $0xFFFFFFF0, v62  }
0x257: {  	v3 =	vor.u32 v3, v4  }
0x258: {  	v4 =	vperm.xlane v3, v0;
	_ =	sdelay $0x1  }
0x259: {  	v3 =	vperm.xlane v3, v2;
	v4 =	vadd.s32 v1, v4;
	_ =	sdelay $0x1  }
0x25a: {  	v3 =	vadd.s32 v1, v3;
	_ =	sdelay $0x2  }
0x25b: {  	[tilespmem:s1], [sflag:$0x1] =	stream.indirect_vreg.gather [hbm4b:s4+s7], $0x80, v4, vm0, $0xb8;
	[tilespmem:$0x10C00] =	vst v63  }
0x25c: {  	_ = 	snop  }
0x25d: {  	[tilespmem:s5], [sflag:$0x1] =	stream.indirect_vreg.gather [hbm4b:s4+s7], $0x80, v3, vm0, $0xb8;
	[tilespmem:$0x10C00] =	vst v63  }
0x25e: {  	v3 =	vld [tilespmem:s22+$0x80];
	_ =	sdelay $0x4  }
0x25f: {  	v63 =	vshll.u32 v3, $0x1  }
0x260: {  	v3 =	vand.u32 $0x7, v3;
	v4 =	vand.u32 $0xFFFFFFF0, v63  }
0x261: {  	v3 =	vor.u32 v3, v4  }
0x262: {  	v4 =	vperm.xlane v3, v0;
	_ =	sdelay $0x1  }
0x263: {  	v3 =	vperm.xlane v3, v2;
	v4 =	vadd.s32 v1, v4;
	_ =	sdelay $0x1  }
0x264: {  	v3 =	vadd.s32 v1, v3;
	_ =	sdelay $0x2  }
0x265: {  	[tilespmem:s8], [sflag:$0x1] =	stream.indirect_vreg.gather [hbm4b:s4+s7], $0x80, v4, vm0, $0xb8;
	[tilespmem:$0x10C00] =	vst v63  }
0x266: {  	p0 =	sne.s32 s21, $0x24000  }
0x267: {  	[tilespmem:s13], [sflag:$0x1] =	stream.indirect_vreg.gather [hbm4b:s4+s7], $0x80, v3, vm0, $0xb8;
	[tilespmem:$0x10C00] =	vst v63  }
.Ltmp3:
0x268: {  	s23 =	sadd.s32 s21, s12;
	(pc) =	sbr.rel @p0 .LBB2_8-.Ltmp3, $4  }
0x269: {  	[hbm4b:s23+s16] =	stream.strided.scatter [tilespmem:s17], [sflag:$0x4], $0x2000, s26, s16, $0x38;
	[tilespmem:$0x10C00] =	vst v63  }
0x26a: {  	_ =	swait.ge [sflag:s30], $0x2000  }
0x26b: {  	[sflag:s30] =	ssyncset.done $0x0  }
0x26c: {  	s21 =	sadd.s32 $0x4800, s21;
	s22 =	sadd.s32 $0x100, s22;
	[sflag:s30] =	ssyncadd.s32 $0xFFFFE000  }
0x26d: {  	_ =	swait.ge [sflag:s18], $0x2000  }
0x26e: {  	[sflag:s18] =	ssyncset.done $0x0  }
0x26f: {  	[sflag:s18] =	ssyncadd.s32 $0xFFFFE000  }
0x270: {  	v3 =	vld [tilespmem:$0x980];
	_ =	sdelay $0x4  }
0x271: {  	v4 =	vshll.u32 v3, $0x1  }
0x272: {  	v3 =	vand.u32 $0x7, v3;
	v4 =	vand.u32 $0xFFFFFFF0, v4  }
0x273: {  	v3 =	vor.u32 v3, v4  }
0x274: {  	v4 =	vperm.xlane v3, v0;
	_ =	sdelay $0x1  }
0x275: {  	v3 =	vperm.xlane v3, v2;
	v4 =	vadd.s32 v1, v4;
	_ =	sdelay $0x1  }
0x276: {  	v3 =	vadd.s32 v1, v3;
	_ =	sdelay $0x1  }
0x277: {  	s21 =	simm.s32 $0x0  }
0x278: {  	[tilespmem:s17], [sflag:$0x2] =	stream.indirect_vreg.gather [hbm4b:s4+s21], $0x80, v4, vm0, $0xb8;
	[tilespmem:$0x10C00] =	vst v63  }
0x279: {  	_ = 	snop  }
0x27a: {  	[tilespmem:s20], [sflag:$0x2] =	stream.indirect_vreg.gather [hbm4b:s4+s21], $0x80, v3, vm0, $0xb8;
	[tilespmem:$0x10C00] =	vst v63  }
0x27b: {  	v3 =	vld [tilespmem:$0x990];
	_ =	sdelay $0x4  }
0x27c: {  	v61 =	vshll.u32 v3, $0x1  }
0x27d: {  	v3 =	vand.u32 $0x7, v3;
	v4 =	vand.u32 $0xFFFFFFF0, v61  }
0x27e: {  	v3 =	vor.u32 v3, v4  }
0x27f: {  	v4 =	vperm.xlane v3, v0;
	_ =	sdelay $0x1  }
0x280: {  	v3 =	vperm.xlane v3, v2;
	v4 =	vadd.s32 v1, v4;
	_ =	sdelay $0x1  }
0x281: {  	v3 =	vadd.s32 v1, v3;
	_ =	sdelay $0x2  }
0x282: {  	[tilespmem:s19], [sflag:$0x2] =	stream.indirect_vreg.gather [hbm4b:s4+s21], $0x80, v4, vm0, $0xb8;
	[tilespmem:$0x10C00] =	vst v63  }
0x283: {  	_ = 	snop  }
0x284: {  	[tilespmem:s31], [sflag:$0x2] =	stream.indirect_vreg.gather [hbm4b:s4+s21], $0x80, v3, vm0, $0xb8;
	[tilespmem:$0x10C00] =	vst v63  }
0x285: {  	s12 =	rddreg [dreg:$0x17]  }
0x286: {  	[hbm4b:s12+s16] =	stream.strided.scatter [tilespmem:s1], [sflag:$0x3], $0x2000, s26, s16, $0x38;
	[tilespmem:$0x10C00] =	vst v63  }
0x287: {  	_ =	swait.ge [sflag:s28], $0x2000  }
0x288: {  	[sflag:s28] =	ssyncset.done $0x0  }
0x289: {  	[sflag:s28] =	ssyncadd.s32 $0xFFFFE000  }
0x28a: {  	_ =	swait.ge [sflag:s29], $0x2000  }
0x28b: {  	[sflag:s29] =	ssyncset.done $0x0  }
0x28c: {  	s23 =	rddreg [dreg:$0x18];
	[sflag:s29] =	ssyncadd.s32 $0xFFFFE000  }
0x28d: {  	[hbm4b:s23+s16] =	stream.strided.scatter [tilespmem:s17], [sflag:$0x4], $0x2000, s26, s16, $0x38;
	[tilespmem:$0x10C00] =	vst v63  }
0x28e: {  	_ =	swait.ge [sflag:s30], $0x2000  }
0x28f: {  	[sflag:s30] =	ssyncset.done $0x0  }
0x290: {  	s24 =	rddreg [dreg:$0x15];
	[sflag:s30] =	ssyncadd.s32 $0xFFFFE000  }
0x291: {  	[tilespmem:s21], [sflag:$0x5] =	stream.linear.gather [hbm4b:s24+s21], $0xA00, $0x38;
	[tilespmem:$0x10C00] =	vst v63  }
0x292: {  	_ =	swait.ge [sflag:s25], $0xA00  }
0x293: {  	[sflag:s25] =	ssyncset.done $0x0  }
0x294: {  	[sflag:s25] =	ssyncadd.s32 $0xFFFFF600  }
0x295: {  	v3 =	vld [tilespmem:$0x0];
	_ =	sdelay $0x4  }
0x296: {  	v62 =	vshll.u32 v3, $0x1  }
0x297: {  	v3 =	vand.u32 $0x7, v3;
	v4 =	vand.u32 $0xFFFFFFF0, v62  }
0x298: {  	v3 =	vor.u32 v3, v4  }
0x299: {  	v4 =	vperm.xlane v3, v0;
	_ =	sdelay $0x1  }
0x29a: {  	v3 =	vperm.xlane v3, v2;
	v4 =	vadd.s32 v1, v4;
	_ =	sdelay $0x1  }
0x29b: {  	v3 =	vadd.s32 v1, v3;
	_ =	sdelay $0x2  }
0x29c: {  	[tilespmem:s1], [sflag:$0x1] =	stream.indirect_vreg.gather [hbm4b:s6+s21], $0x80, v4, vm0, $0xb8;
	[tilespmem:$0x10C00] =	vst v63  }
0x29d: {  	_ = 	snop  }
0x29e: {  	[tilespmem:s5], [sflag:$0x1] =	stream.indirect_vreg.gather [hbm4b:s6+s21], $0x80, v3, vm0, $0xb8;
	[tilespmem:$0x10C00] =	vst v63  }
0x29f: {  	v3 =	vld [tilespmem:$0x10];
	_ =	sdelay $0x4  }
0x2a0: {  	v63 =	vshll.u32 v3, $0x1  }
0x2a1: {  	v3 =	vand.u32 $0x7, v3;
	v4 =	vand.u32 $0xFFFFFFF0, v63  }
0x2a2: {  	v3 =	vor.u32 v3, v4  }
0x2a3: {  	v4 =	vperm.xlane v3, v0;
	_ =	sdelay $0x1  }
0x2a4: {  	v3 =	vperm.xlane v3, v2;
	v4 =	vadd.s32 v1, v4;
	_ =	sdelay $0x1  }
0x2a5: {  	v3 =	vadd.s32 v1, v3;
	_ =	sdelay $0x1  }
0x2a6: {  	s12 =	rddreg [dreg:$0x1f]  }
0x2a7: {  	[tilespmem:s8], [sflag:$0x1] =	stream.indirect_vreg.gather [hbm4b:s6+s21], $0x80, v4, vm0, $0xb8;
	[tilespmem:$0x10C00] =	vst v63  }
0x2a8: {  	s22 =	simm.s32 $0x90;
	s31 =	sld [smem:$0x7FD];
	s25 =	simm.s32 $0x10400  }
0x2a9: {  	[tilespmem:s13], [sflag:$0x1] =	stream.indirect_vreg.gather [hbm4b:s6+s21], $0x80, v3, vm0, $0xb8;
	[tilespmem:$0x10C00] =	vst v63  }
.LBB2_10:
0x2aa: {  	_ =	swait.ge [sflag:s18], $0x2000  }
0x2ab: {  	[sflag:s18] =	ssyncset.done $0x0  }
0x2ac: {  	[sflag:s18] =	ssyncadd.s32 $0xFFFFE000  }
0x2ad: {  	v3 =	vld [tilespmem:s22+$0xFFFFFFF0];
	_ =	sdelay $0x4  }
0x2ae: {  	v4 =	vshll.u32 v3, $0x1  }
0x2af: {  	v3 =	vand.u32 $0x7, v3;
	v4 =	vand.u32 $0xFFFFFFF0, v4  }
0x2b0: {  	v3 =	vor.u32 v3, v4  }
0x2b1: {  	v4 =	vperm.xlane v3, v0;
	_ =	sdelay $0x1  }
0x2b2: {  	v3 =	vperm.xlane v3, v2;
	v4 =	vadd.s32 v1, v4;
	_ =	sdelay $0x1  }
0x2b3: {  	v3 =	vadd.s32 v1, v3;
	_ =	sdelay $0x2  }
0x2b4: {  	[tilespmem:s17], [sflag:$0x2] =	stream.indirect_vreg.gather [hbm4b:s6+s7], $0x80, v4, vm0, $0xb8;
	[tilespmem:$0x10C00] =	vst v63  }
0x2b5: {  	_ = 	snop  }
0x2b6: {  	[tilespmem:s20], [sflag:$0x2] =	stream.indirect_vreg.gather [hbm4b:s6+s7], $0x80, v3, vm0, $0xb8;
	[tilespmem:$0x10C00] =	vst v63  }
0x2b7: {  	v3 =	vld [tilespmem:s22+$0x0];
	_ =	sdelay $0x4  }
0x2b8: {  	v61 =	vshll.u32 v3, $0x1  }
0x2b9: {  	v3 =	vand.u32 $0x7, v3;
	v4 =	vand.u32 $0xFFFFFFF0, v61  }
0x2ba: {  	v3 =	vor.u32 v3, v4  }
0x2bb: {  	v4 =	vperm.xlane v3, v0;
	_ =	sdelay $0x1  }
0x2bc: {  	v3 =	vperm.xlane v3, v2;
	v4 =	vadd.s32 v1, v4;
	_ =	sdelay $0x1  }
0x2bd: {  	v3 =	vadd.s32 v1, v3;
	_ =	sdelay $0x2  }
0x2be: {  	[tilespmem:s19], [sflag:$0x2] =	stream.indirect_vreg.gather [hbm4b:s6+s7], $0x80, v4, vm0, $0xb8;
	[tilespmem:$0x10C00] =	vst v63  }
0x2bf: {  	_ = 	snop  }
0x2c0: {  	[tilespmem:s25], [sflag:$0x2] =	stream.indirect_vreg.gather [hbm4b:s6+s7], $0x80, v3, vm0, $0xb8;
	[tilespmem:$0x10C00] =	vst v63  }
0x2c1: {  	s23 =	sadd.s32 s21, s12  }
0x2c2: {  	[hbm4b:s23+s16] =	stream.strided.scatter [tilespmem:s1], [sflag:$0x3], $0x2000, s26, s16, $0x38;
	[tilespmem:$0x10C00] =	vst v63  }
0x2c3: {  	_ =	swait.ge [sflag:s28], $0x2000  }
0x2c4: {  	[sflag:s28] =	ssyncset.done $0x0  }
0x2c5: {  	[sflag:s28] =	ssyncadd.s32 $0xFFFFE000  }
0x2c6: {  	_ =	swait.ge [sflag:s29], $0x2000  }
0x2c7: {  	[sflag:s29] =	ssyncset.done $0x0  }
0x2c8: {  	[sflag:s29] =	ssyncadd.s32 $0xFFFFE000  }
0x2c9: {  	v3 =	vld [tilespmem:s22+$0x70];
	_ =	sdelay $0x4  }
0x2ca: {  	v62 =	vshll.u32 v3, $0x1  }
0x2cb: {  	v3 =	vand.u32 $0x7, v3;
	v4 =	vand.u32 $0xFFFFFFF0, v62  }
0x2cc: {  	v3 =	vor.u32 v3, v4  }
0x2cd: {  	v4 =	vperm.xlane v3, v0;
	_ =	sdelay $0x1  }
0x2ce: {  	v3 =	vperm.xlane v3, v2;
	v4 =	vadd.s32 v1, v4;
	_ =	sdelay $0x1  }
0x2cf: {  	v3 =	vadd.s32 v1, v3;
	_ =	sdelay $0x2  }
0x2d0: {  	[tilespmem:s1], [sflag:$0x1] =	stream.indirect_vreg.gather [hbm4b:s6+s7], $0x80, v4, vm0, $0xb8;
	[tilespmem:$0x10C00] =	vst v63  }
0x2d1: {  	_ = 	snop  }
0x2d2: {  	[tilespmem:s5], [sflag:$0x1] =	stream.indirect_vreg.gather [hbm4b:s6+s7], $0x80, v3, vm0, $0xb8;
	[tilespmem:$0x10C00] =	vst v63  }
0x2d3: {  	v3 =	vld [tilespmem:s22+$0x80];
	_ =	sdelay $0x4  }
0x2d4: {  	v63 =	vshll.u32 v3, $0x1  }
0x2d5: {  	v3 =	vand.u32 $0x7, v3;
	v4 =	vand.u32 $0xFFFFFFF0, v63  }
0x2d6: {  	v3 =	vor.u32 v3, v4  }
0x2d7: {  	v4 =	vperm.xlane v3, v0;
	_ =	sdelay $0x1  }
0x2d8: {  	v3 =	vperm.xlane v3, v2;
	v4 =	vadd.s32 v1, v4;
	_ =	sdelay $0x1  }
0x2d9: {  	v3 =	vadd.s32 v1, v3;
	_ =	sdelay $0x2  }
0x2da: {  	[tilespmem:s8], [sflag:$0x1] =	stream.indirect_vreg.gather [hbm4b:s6+s7], $0x80, v4, vm0, $0xb8;
	[tilespmem:$0x10C00] =	vst v63  }
0x2db: {  	p0 =	sne.s32 s21, $0x24000  }
0x2dc: {  	[tilespmem:s13], [sflag:$0x1] =	stream.indirect_vreg.gather [hbm4b:s6+s7], $0x80, v3, vm0, $0xb8;
	[tilespmem:$0x10C00] =	vst v63  }
.Ltmp4:
0x2dd: {  	s24 =	sadd.s32 s21, s31;
	(pc) =	sbr.rel @p0 .LBB2_10-.Ltmp4, $4  }
0x2de: {  	[hbm4b:s24+s16] =	stream.strided.scatter [tilespmem:s17], [sflag:$0x4], $0x2000, s26, s16, $0x38;
	[tilespmem:$0x10C00] =	vst v63  }
0x2df: {  	_ =	swait.ge [sflag:s30], $0x2000  }
0x2e0: {  	[sflag:s30] =	ssyncset.done $0x0  }
0x2e1: {  	s21 =	sadd.s32 $0x4800, s21;
	s22 =	sadd.s32 $0x100, s22;
	[sflag:s30] =	ssyncadd.s32 $0xFFFFE000  }
0x2e2: {  	_ =	swait.ge [sflag:s18], $0x2000  }
0x2e3: {  	[sflag:s18] =	ssyncset.done $0x0  }
0x2e4: {  	[sflag:s18] =	ssyncadd.s32 $0xFFFFE000  }
0x2e5: {  	v3 =	vld [tilespmem:$0x980];
	_ =	sdelay $0x4  }
0x2e6: {  	v4 =	vshll.u32 v3, $0x1  }
0x2e7: {  	v3 =	vand.u32 $0x7, v3;
	v4 =	vand.u32 $0xFFFFFFF0, v4  }
0x2e8: {  	v3 =	vor.u32 v3, v4  }
0x2e9: {  	v4 =	vperm.xlane v3, v0;
	_ =	sdelay $0x1  }
0x2ea: {  	v3 =	vperm.xlane v3, v2;
	v4 =	vadd.s32 v1, v4;
	_ =	sdelay $0x1  }
0x2eb: {  	v3 =	vadd.s32 v1, v3;
	_ =	sdelay $0x2  }
0x2ec: {  	[tilespmem:s17], [sflag:$0x2] =	stream.indirect_vreg.gather [hbm4b:s6+s7], $0x80, v4, vm0, $0xb8;
	[tilespmem:$0x10C00] =	vst v63  }
0x2ed: {  	_ = 	snop  }
0x2ee: {  	[tilespmem:s20], [sflag:$0x2] =	stream.indirect_vreg.gather [hbm4b:s6+s7], $0x80, v3, vm0, $0xb8;
	[tilespmem:$0x10C00] =	vst v63  }
0x2ef: {  	v3 =	vld [tilespmem:$0x990];
	_ =	sdelay $0x4  }
0x2f0: {  	v63 =	vshll.u32 v3, $0x1  }
0x2f1: {  	v3 =	vand.u32 $0x7, v3;
	v4 =	vand.u32 $0xFFFFFFF0, v63  }
0x2f2: {  	v3 =	vor.u32 v3, v4  }
0x2f3: {  	v4 =	vperm.xlane v3, v0;
	_ =	sdelay $0x1  }
0x2f4: {  	v3 =	vperm.xlane v3, v2;
	v4 =	vadd.s32 v1, v4;
	_ =	sdelay $0x1  }
0x2f5: {  	v3 =	vadd.s32 v1, v3;
	_ =	sdelay $0x2  }
0x2f6: {  	[tilespmem:s19], [sflag:$0x2] =	stream.indirect_vreg.gather [hbm4b:s6+s7], $0x80, v4, vm0, $0xb8;
	[tilespmem:$0x10C00] =	vst v63  }
0x2f7: {  	_ = 	snop  }
0x2f8: {  	[tilespmem:s25], [sflag:$0x2] =	stream.indirect_vreg.gather [hbm4b:s6+s7], $0x80, v3, vm0, $0xb8;
	[tilespmem:$0x10C00] =	vst v63  }
0x2f9: {  	s12 =	rddreg [dreg:$0x19]  }
0x2fa: {  	[hbm4b:s12+s16] =	stream.strided.scatter [tilespmem:s1], [sflag:$0x3], $0x2000, s26, s16, $0x38;
	[tilespmem:$0x10C00] =	vst v63  }
0x2fb: {  	_ =	swait.ge [sflag:s28], $0x2000  }
0x2fc: {  	[sflag:s28] =	ssyncset.done $0x0  }
0x2fd: {  	[sflag:s28] =	ssyncadd.s32 $0xFFFFE000  }
0x2fe: {  	_ =	swait.ge [sflag:s29], $0x2000  }
0x2ff: {  	[sflag:s29] =	ssyncset.done $0x0  }
0x300: {  	s24 =	rddreg [dreg:$0x1a];
	[sflag:s29] =	ssyncadd.s32 $0xFFFFE000  }
0x301: {  	[hbm4b:s24+s16] =	stream.strided.scatter [tilespmem:s17], [sflag:$0x4], $0x2000, s26, s16, $0x38;
	[tilespmem:$0x10C00] =	vst v63  }
0x302: {  	_ =	swait.ge [sflag:s30], $0x2000  }
0x303: {  	s5 =	sld [smem:$0x7FB];
	_ =	sdelay $0x2  }
0x304: {  	s25 =	rddreg [dreg:$0x16];
	s5 =	sadd.s32 $0x1, s5  }
0x305: {  	p0 =	sne.s32 s5, s25  }
.Ltmp5:
0x306: {  	s8 =	simm.s32 $0x2400;
	s13 =	simm.s32 $0x2C00;
	(pc) =	sbr.rel @p0 .LBB2_1-.Ltmp5, $4  }
0x307: {  	s22 =	simm.s32 $0x4400;
	s23 =	simm.s32 $0x4C00;
	s31 =	simm.s32 $0x5C00  }
0x308: {  	s20 =	simm.s32 $0x3C00;
	s19 =	simm.s32 $0x3400;
	s12 =	simm.s32 $0x1400  }
0x309: {  	s1 =	simm.s32 $0x1C00;
	s17 =	simm.s32 $0xC00;
	[sflag:s30] =	ssyncset.done $0x0  }
0x30a: {  	s24 =	simm.s32 $0x5400;
	[sflag:s30] =	ssyncadd.s32 $0xFFFFE000;
	s25 =	simm.s32 $0x5  }
0x30b: {  	_ =	sfence.sel $0x180000  }
0x30c: {  	[bflag:$0x0] =	sbarrier.arrive $0xFFFF  }
0x30d: {  	_ =	strace $0x90000047  }
0x30e: {  	s0 =	stileid.u32;
	[bflag:$0x2] =	sbarrier.arrive $0xFFFF  }
0x30f: {  	p0 =	sne.s32 s0, $0x0;
	s0 =	rddreg [dreg:$0x7]  }
0x310: {  	s0 =	sadd.s32 @!p0 $0x100000, s0  }
0x311: {  	[sflag:s0] =	ssyncadd.tile.s32 @!p0 $0x1;
	_ =	shalt  }
.Lfunc_end2:
_tile_overlayer_lowered:
.L_overlay_start_2:
0x312: {  	(tag) =	ssettag $0x2  }
0x313: {  	s0 =	rddreg [dreg:$0x0];
	s2 =	stileid.u32  }
0x314: {  	s1 =	rddreg [dreg:$0x1];
	p0 =	sne.s32 s2, $0x0  }
0x315: {  	s3 =	rddreg [dreg:$0x2];
	[bflag:$0x3] =	sbarrier.arrive $0xFFFF;
	s2 =	simm.s32 @!p0 $0x1C05  }
0x316: {  	[timem:s3], [sflag:s2] =	dma.local @!p0 [hbm:s0], s1  }
0x317: {  	s0 =	simm.s32 @!p0 $0x5  }
0x318: {  	_ =	swait.ge @!p0 [sflag:s0], s1  }
0x319: {  	s1 =	ssub.s32 @!p0 $0x0, s1;
	[sflag:s0] =	ssyncset.done @!p0 $0x0  }
0x31a: {  	[sflag:s0] =	ssyncadd.s32 @!p0 s1  }
0x31b: {  	[bflag:$0x3] =	sbarrier.arrive $0xFFFF  }
0x31c: {  	_ =	shalt  }

// kernel: sparse-core-data-format-call.cloned.1.call-start
scs
called_computation_lowered:
.L_overlay_start_0:
0x0: {  	s2 =	sld [smem:$0x3FD9]  }
0x1: {  	s3 =	sld [smem:$0x3FFE];
	_ =	sdelay $0x1  }
0x2: {  	s1 =	srdreg.scid  }
0x3: {  	s0 =	sand.u32 $0x1, s1  }
0x4: {  	s18 =	sshll.u32 s0, $0xA;
	s2 =	sadd.s32 s3, s2  }
0x5: {  	s2 =	sadd.s32 s2, s18  }
0x6: {  	[smem:$0x3FBE] =	sst s2  }
0x7: {  	_ = 	snop  }
0x8: {  	s2 =	sld [smem:$0x3FD0];
	(tm) =	ssettm $0x1  }
0x9: {  	s19 =	sld [smem:$0x3FFB];
	_ =	sdelay $0x3  }
0xa: {  	_ =	strace s19  }
0xb: {  	s3 =	sld [smem:$0x3FFC];
	_ =	sdelay $0x3  }
0xc: {  	_ =	strace s3  }
0xd: {  	s3 =	sld [smem:$0x3FFD];
	_ =	sdelay $0x3  }
0xe: {  	_ =	strace s3  }
0xf: {  	_ =	strace $0x8FFFFFFF  }
0x10: {  	s20 =	sld [smem:$0x3FDB];
	_ =	sdelay $0x1  }
0x11: {  	s4 =	simm.s32 $_scs_section_size  }
0x12: {  	s5 =	simm.s32 $_size__tile_overlayer_lowered;
	s6 =	simm.s32 $_tile_overlayer_lowered  }
0x13: {  	s23 =	simm.s32 $0x1BFF;
	s22 =	sshll.u32 s6, $0x1;
	s3 =	sadd.s32 s4, s20  }
0x14: {  	s7 =	simm.s32 $0x0;
	s21 =	sshll.u32 s5, $0x1;
	s5 =	sadd.s32 s22, s3  }
0x15: {  	[timem:s7], [sflag:s23] =	dma.local [hbm:s5], s21  }
0x16: {  	_ =	swait.ge [sflag:s23], s21  }
0x17: {  	s4 =	ssub.s32 $0x0, s21;
	[sflag:s23] =	ssyncset.done $0x0  }
0x18: {  	[sflag:s23] =	ssyncadd.s32 s4;
	_ =	sdelay $0x1  }
0x19: {  	s24 =	simm.s32 $0x1B8B  }
0x1a: {  	_ =	swait.ge [sflag:s24], $0x1  }
0x1b: {  	[sflag:s24] =	ssyncset.done $0x0  }
0x1c: {  	s26 =	simm.s32 $0x1B8E;
	s25 =	sld [smem:$0x3FFE];
	[sflag:s24] =	ssyncadd.s32 $0xFFFFFFFF  }
0x1d: {  	s27 =	simm.s32 $execute0_lowered;
	[smem:$0x3FD2] =	sst s26  }
0x1e: {  	s5 =	sshll.u32 s27, $0x1;
	_ =	strace $0x80000049;
	[dreg:$0x1] =	wrdreg $0xFFFFFFFF  }
0x1f: {  	s28 =	simm.s32 $_size_execute0_lowered;
	s3 =	sadd.s32 s3, s5;
	[dreg:$0x0] =	wrdreg $0x0  }
0x20: {  	s5 =	sshll.u32 s28, $0x1;
	[dreg:$0x2] =	wrdreg s3  }
0x21: {  	[dreg:$0x3] =	wrdreg s5  }
0x22: {  	[dreg:$0x4] =	wrdreg $0xC0  }
0x23: {  	_ =	task [dreg:s7], $0x5FFFF  }
0x24: {  	[dreg:$0x1] =	wrdreg $0xFFFFFFFF  }
0x25: {  	[dreg:$0x0] =	wrdreg $0x60  }
0x26: {  	[dreg:$0x2] =	wrdreg s25  }
0x27: {  	[dreg:$0x3] =	wrdreg s2  }
0x28: {  	[dreg:$0x4] =	wrdreg $0x9  }
0x29: {  	_ =	task.clear_ibuf [dreg:s7], $0x5FFFF;
	_ =	strace $0x90000049  }
0x2a: {  	s29 =	simm.s32 $0x9;
	_ =	strace $0x8000004B  }
0x2b: {  	_ =	swait.ge [sflag:s29], $0x1  }
0x2c: {  	[sflag:s29] =	ssyncadd.s32 $0xFFFFFFFF  }
0x2d: {  	_ =	strace $0x9000004B  }
0x2e: {  	_ =	sfence  }
0x2f: {  	s30 =	sld [smem:$0x0];
	_ =	sdelay $0x2  }
0x30: {  	s31 =	sshll.u32 s1, $0xD;
	s1 =	sshrl.u32 s1, $0x2  }
0x31: {  	s3 =	sand.u32 $0x4000, s31;
	s1 =	sadd.s32 s1, s30  }
0x32: {  	s0 =	sor.u32 s3, s0;
	s1 =	sshll.u32 s1, $0x11  }
0x33: {  	s0 =	sor.u32 s1, s0  }
0x34: {  	s0 =	sadd.s32 $0x8F2B, s0  }
0x35: {  	[sflag:s0] =	ssyncadd.remote.s32 $0x1  }
0x36: {  	_ =	sfence.sel $0xFFFF  }
0x37: {  	[dreg:$0x0] =	wrdreg $0xFFFFFFFF;
	(pc) =	sbr.abs _section_cstart, $3  }
0x38: {  	[dreg:$0x1] =	wrdreg $0xFFFFFFFF  }
0x39: {  	_ =	task.clear_ibuf [dreg:s7], $0x2FFFF;
	_ =	strace $0x9FFFFFFF  }
0x3a: {  	(tm) =	ssettm $0x7FFFFFFF  }
0x3b: {  	_ =	shalt  }
tec
execute0_lowered:
.L_overlay_start_1:
0x0: {  	(tag) =	ssettag $0x1  }
0x1: {  	s4 =	rddreg [dreg:$0x0]  }
0x2: {  	s0 =	stileid.u32;
	s2 =	rddreg [dreg:$0x1]  }
0x3: {  	s7 =	srdreg.scid;
	s8 =	simm.s32 $0x2;
	s16 =	simm.s32 $0x0  }
0x4: {  	s9 =	simm.s32 $0x4800;
	s10 =	simm.s32 $0x0;
	s1 =	sshll.u32 s0, $0x7  }
0x5: {  	s15 =	simm.s32 $0x0;
	s17 =	simm.s32 $0x0;
	s3 =	sand.u32 $0x380, s1  }
0x6: {  	s11 =	simm.s32 $0x0;
	s14 =	simm.s32 $0x0;
	s5 =	ssub.s32 $0x400, s3  }
0x7: {  	s7 =	sshll.u32 s7, $0x4;
	s4 =	sadd.s32 $0x800, s4;
	s6 =	sand.u32 $0x380, s5  }
0x8: {  	s1 =	rddreg [dreg:$0x2];
	p0 =	sne.s32 s6, $0x0;
	s6 =	simm.s32 $0x1  }
.Ltmp0:
0x9: {  	s5 =	sshrl.u32 s5, $0xA;
	s6 =	simm.s32 @!p0 $0x0;
	(pc) =	sbr.rel .LBB1_1-.Ltmp0, $4  }
0xa: {  	_ =	strace $0x8000004A;
	s7 =	sand.u32 $0x10, s7;
	s6 =	sadd.s32 s6, s5  }
0xb: {  	s7 =	sor.u32 s0, s7;
	s5 =	simm.s32 $0x1;
	s6 =	smul.u32 $0x5A, s6  }
0xc: {  	s13 =	smov.u32 s3;
	s7 =	sshrl.u32 s7, $0x3;
	[sflag:s5] =	ssyncpa.u1 $0x0  }
0xd: {  	s12 =	smov.u32 s7;
	[sflag:s8] =	ssyncpa.u1 $0x0;
	s8 =	sor.u32 $0x1, s6  }
.LBB1_4:
0xe: {  	_ =	sdelay $0x2  }
0xf: {  	s21 =	sshrl.u32 s17, $0x3  }
0x10: {  	[tilespmem:v0+s20+$0xFFFFFFD0 ss:$0x1] =	vst.idx.msk $0xffff, v7;
	s22 =	sshll.u32 s16, $0x3;
	s21 =	smul.u32 $0x4800, s21  }
0x11: {  	v56 =	vld.idx.msk [tilespmem:v1+s19+$0x0 ss:$0x1], $0xffff;
	[tilespmem:v0+s20+$0xFFFFFFE0 ss:$0x1] =	vst.idx.msk $0xffff, v5;
	s27 =	sshll.u32 s17, $0x7;
	s22 =	sand.u32 $0xFFFFFC00, s22  }
0x12: {  	v57 =	vld.idx.msk [tilespmem:v1+s19+$0xFFFFFF90 ss:$0x1], $0xffff;
	[tilespmem:v0+s20+$0xFFFFFFF0 ss:$0x1] =	vst.idx.msk $0xffff, v4;
	s17 =	sand.u32 $0x380, s27;
	s21 =	sadd.s32 s21, s22  }
0x13: {  	v58 =	vld.idx.msk [tilespmem:v1+s19+$0xFFFFFFA0 ss:$0x1], $0xffff;
	[tilespmem:v0+s20+$0x0 ss:$0x1] =	vst.idx.msk $0xffff, v2;
	s28 =	sand.u32 $0x7F, s16;
	s17 =	sor.u32 s17, s21  }
0x14: {  	v59 =	vld.idx.msk [tilespmem:v1+s19+$0xFFFFFFB0 ss:$0x1], $0xffff;
	[tilespmem:v0+s20+$0x10 ss:$0x1] =	vst.idx.msk $0xffff, v3;
	s16 =	sor.u32 s28, s17  }
0x15: {  	v60 =	vld.idx.msk [tilespmem:v1+s19+$0xFFFFFFC0 ss:$0x1], $0xffff;
	[tilespmem:v0+s20+$0x20 ss:$0x1] =	vst.idx.msk $0xffff, v6;
	s29 =	smulhi.u32 $0x38E38E39, s16  }
0x16: {  	v61 =	vld.idx.msk [tilespmem:v1+s19+$0xFFFFFFD0 ss:$0x1], $0xffff;
	[tilespmem:v0+s19+$0x30 ss:$0x1] =	vst.idx.msk $0xffff, v56;
	s17 =	smulhi.u32 $0x38E38E39, s17  }
0x17: {  	v62 =	vld.idx.msk [tilespmem:v1+s19+$0xFFFFFFE0 ss:$0x1], $0xffff;
	[tilespmem:v0+s19+$0xFFFFFFC0 ss:$0x1] =	vst.idx.msk $0xffff, v57;
	s20 =	sshrl.u32 s29, $0x9  }
0x18: {  	v63 =	vld.idx.msk [tilespmem:v1+s19+$0xFFFFFFF0 ss:$0x1], $0xffff;
	[tilespmem:v0+s19+$0xFFFFFFD0 ss:$0x1] =	vst.idx.msk $0xffff, v58;
	s17 =	sshrl.u32 s17, $0x9;
	s20 =	smul.u32 $0x900, s20  }
0x19: {  	s15 =	smul.u32 $0x48000, s15;
	[tilespmem:v0+s19+$0xFFFFFFE0 ss:$0x1] =	vst.idx.msk $0xffff, v59;
	s17 =	sand.u32 $0x3FF, s17  }
0x1a: {  	[tilespmem:v0+s19+$0xFFFFFFF0 ss:$0x1] =	vst.idx.msk $0xffff, v60;
	s17 =	smul.u32 $0x120, s17;
	s16 =	ssub.s32 s16, s20  }
0x1b: {  	s15 =	sadd.s32 s2, s15;
	[tilespmem:v0+s19+$0x0 ss:$0x1] =	vst.idx.msk $0xffff, v61;
	s20 =	sand.u32 $0x7, s16  }
0x1c: {  	[tilespmem:v0+s19+$0x10 ss:$0x1] =	vst.idx.msk $0xffff, v62;
	s15 =	sadd.s32 s17, s15;
	s16 =	sshrl.u32 s16, $0x3;
	s30 =	sshll.u32 s20, $0x12  }
0x1d: {  	[tilespmem:v0+s19+$0x20 ss:$0x1] =	vst.idx.msk $0xffff, v63;
	s15 =	sadd.s32 s16, s15;
	s31 =	sor.u32 $0x400, s30  }
0x1e: {  	[hbm4b:s15+s31] =	stream.strided.scatter [tilespmem:s18], [sflag:$0x2], $0x4000, s9, s31, $0x38;
	[tilespmem:$0x10000] =	vst v63  }
.LBB1_5:
0x1f: {  	s18 =	sadd.s32 $0x80, s11  }
0x20: {  	s15 =	sadd.s32 $0x4, s12;
	s19 =	smov.u32 s12;
	p1 =	sgt.s32 s18, $0x8FF  }
0x21: {  	s19 =	smov.u32 @p1 s15  }
0x22: {  	s21 =	smov.u32 s13;
	s15 =	sadd.s32 $0x400, s13;
	p2 =	sgt.s32 s19, $0x13  }
0x23: {  	s21 =	smov.u32 @p2 s15  }
0x24: {  	s18 =	simm.s32 @p1 $0x0;
	p1 =	sgt.s32 s21, $0x3FF  }
0x25: {  	p0 =	slt.u32 s14, $0x2;
	s21 =	smov.u32 @p1 s3;
	p1 =	sne.s32 s14, s8  }
.Ltmp1:
0x26: {  	s20 =	simm.s32 @!p0 $0x2;
	(pc) =	sbr.rel @!p1 .LBB1_6-.Ltmp1, $4  }
0x27: {  	s16 =	smov.u32 s11;
	s17 =	smov.u32 s13;
	_ =	swait.ge @!p0 [sflag:s20], $0x4000  }
0x28: {  	s10 =	sadd.s32 $0x4000, s10;
	[sflag:s20] =	ssyncset.done @!p0 $0x0;
	s11 =	smov.u32 s18  }
0x29: {  	s19 =	smov.u32 @p2 s7;
	s15 =	smov.u32 s12;
	[sflag:s20] =	ssyncadd.s32 @!p0 $0xFFFFC000  }
0x2a: {  	s12 =	smov.u32 s19;
	s14 =	sadd.s32 $0x1, s14;
	s13 =	smov.u32 s21  }
.LBB1_1:
0x2b: {  	p0 =	sge.u32 s14, s6  }
0x2c: {  	s18 =	sshrl.u32 @!p0 s12, $0x3  }
0x2d: {  	s19 =	sshll.u32 @!p0 s11, $0x3;
	s18 =	smul.u32 @!p0 $0x4800, s18  }
0x2e: {  	s20 =	sshll.u32 @!p0 s12, $0x7;
	s19 =	sand.u32 @!p0 $0xFFFFFC00, s19  }
0x2f: {  	s18 =	sadd.s32 @!p0 s18, s19;
	s19 =	sand.u32 @!p0 $0x380, s20  }
0x30: {  	s18 =	sor.u32 @!p0 s19, s18  }
0x31: {  	s19 =	sand.u32 @!p0 $0x7F, s11;
	s20 =	smulhi.u32 @!p0 $0x38E38E39, s18  }
0x32: {  	s18 =	sor.u32 @!p0 s19, s18  }
0x33: {  	s19 =	smulhi.u32 @!p0 $0x38E38E39, s18;
	s20 =	sshrl.u32 @!p0 s20, $0x9  }
0x34: {  	s21 =	smulhi.u32 @!p0 $0xAAAAAAB, s20;
	_ =	sdelay $0x1  }
0x35: {  	s19 =	sshrl.u32 @!p0 s19, $0x9;
	s21 =	smul.u32 @!p0 $0x18, s21  }
0x36: {  	s31 =	sadd.s32 $0xFFFFFFFF, s14;
	s19 =	smul.u32 @!p0 $0x900, s19  }
0x37: {  	s22 =	sxor.u32 @!p0 $0xFFFFFFFF, s14;
	s20 =	ssub.s32 @!p0 s20, s21;
	s21 =	smul.u32 @!p0 $0x1B00, s13  }
0x38: {  	s22 =	sshll.u32 @!p0 s22, $0xE;
	s18 =	ssub.s32 @!p0 s18, s19;
	s19 =	smul.u32 @!p0 $0x120, s20  }
0x39: {  	s20 =	sand.u32 @!p0 $0x4000, s22;
	s22 =	sand.u32 @!p0 $0x7, s18;
	s21 =	sadd.s32 @!p0 s4, s21  }
0x3a: {  	s18 =	sshrl.u32 @!p0 s18, $0x3;
	s19 =	sadd.s32 @!p0 s19, s21;
	s21 =	sshll.u32 @!p0 s22, $0x12  }
0x3b: {  	s18 =	sadd.s32 @!p0 s18, s19;
	s19 =	sor.u32 @!p0 $0x80, s21;
	s21 =	simm.s32 @!p0 $0xD800  }
0x3c: {  	[tilespmem:s20], [sflag:$0x1] =	stream.strided.gather @!p0 [hbm4b:s18+s19], $0x4000, s21, s19, $0x38;
	[tilespmem:$0x10000] =	vst v63  }
0x3d: {  	p0 =	sge.u32 s31, s6  }
.Ltmp2:
0x3e: {  	_ = 	snop;
	(pc) =	sbr.rel @p0 .LBB1_5-.Ltmp2, $1  }
0x3f: {  	_ =	sdelay $0x3  }
0x40: {  	s18 =	sand.u32 $0x4000, s10  }
0x41: {  	s19 =	sor.u32 $0x70, s18  }
0x42: {  	v1 =	vmov s19;
	_ =	sdelay $0x1  }
0x43: {  	_ =	swait.ge [sflag:s5], $0x4000  }
0x44: {  	[sflag:s5] =	ssyncset.done $0x0  }
0x45: {  	s20 =	simm.s32 $0x0;
	[sflag:s5] =	ssyncadd.s32 $0xFFFFC000  }
0x46: {  	s18 =	sor.u32 $0x8040, s18;
	v6 =	vld.idx.msk [tilespmem:v1+s20+$0x0 ss:$0x1], $0xffff  }
0x47: {  	v0 =	vmov s18;
	v8 =	vld.idx.msk [tilespmem:v1+s20+$0xFFFFFF90 ss:$0x1], $0xffff  }
0x48: {  	v7 =	vld.idx.msk [tilespmem:v1+s20+$0xFFFFFFA0 ss:$0x1], $0xffff  }
0x49: {  	v5 =	vld.idx.msk [tilespmem:v1+s20+$0xFFFFFFB0 ss:$0x1], $0xffff  }
0x4a: {  	v4 =	vld.idx.msk [tilespmem:v1+s20+$0xFFFFFFC0 ss:$0x1], $0xffff  }
0x4b: {  	s31 =	sshll.u32 s14, $0xE;
	v2 =	vld.idx.msk [tilespmem:v1+s20+$0xFFFFFFD0 ss:$0x1], $0xffff  }
0x4c: {  	s18 =	sand.u32 $0x4000, s31;
	v3 =	vld.idx.msk [tilespmem:v1+s20+$0xFFFFFFE0 ss:$0x1], $0xffff;
	[tilespmem:v0+s20+$0x30 ss:$0x1] =	vst.idx.msk $0xffff, v6  }
0x4d: {  	s21 =	simm.s32 $0x400;
	s19 =	simm.s32 $0x80;
	s18 =	sor.u32 $0x8000, s18;
	[tilespmem:v0+s20+$0xFFFFFFC0 ss:$0x1] =	vst.idx.msk $0xffff, v8;
	v6 =	vld.idx.msk [tilespmem:v1+s20+$0xFFFFFFF0 ss:$0x1], $0xffff  }
.LBB1_3:
0x4e: {  	p0 =	sne.s32 s21, $0xFE00;
	v8 =	vld.idx.msk [tilespmem:v1+s19+$0x0 ss:$0x1], $0xffff;
	[tilespmem:v0+s20+$0xFFFFFFD0 ss:$0x1] =	vst.idx.msk $0xffff, v7  }
0x4f: {  	v9 =	vld.idx.msk [tilespmem:v1+s19+$0xFFFFFF90 ss:$0x1], $0xffff;
	[tilespmem:v0+s20+$0xFFFFFFE0 ss:$0x1] =	vst.idx.msk $0xffff, v5  }
0x50: {  	v7 =	vld.idx.msk [tilespmem:v1+s19+$0xFFFFFFA0 ss:$0x1], $0xffff;
	[tilespmem:v0+s20+$0xFFFFFFF0 ss:$0x1] =	vst.idx.msk $0xffff, v4  }
.Ltmp3:
0x51: {  	v5 =	vld.idx.msk [tilespmem:v1+s19+$0xFFFFFFB0 ss:$0x1], $0xffff;
	[tilespmem:v0+s20+$0x0 ss:$0x1] =	vst.idx.msk $0xffff, v2;
	(pc) =	sbr.rel @p0 .LBB1_3-.Ltmp3, $4  }
0x52: {  	v4 =	vld.idx.msk [tilespmem:v1+s19+$0xFFFFFFC0 ss:$0x1], $0xffff;
	[tilespmem:v0+s20+$0x10 ss:$0x1] =	vst.idx.msk $0xffff, v3  }
0x53: {  	v2 =	vld.idx.msk [tilespmem:v1+s19+$0xFFFFFFD0 ss:$0x1], $0xffff;
	[tilespmem:v0+s20+$0x20 ss:$0x1] =	vst.idx.msk $0xffff, v6;
	s20 =	smov.u32 s19  }
0x54: {  	v3 =	vld.idx.msk [tilespmem:v1+s20+$0xFFFFFFE0 ss:$0x1], $0xffff;
	[tilespmem:v0+s20+$0x30 ss:$0x1] =	vst.idx.msk $0xffff, v8  }
0x55: {  	s19 =	sshra.s32 s21, $0x2;
	s21 =	sadd.s32 $0x200, s21;
	[tilespmem:v0+s20+$0xFFFFFFC0 ss:$0x1] =	vst.idx.msk $0xffff, v9;
	v6 =	vld.idx.msk [tilespmem:v1+s20+$0xFFFFFFF0 ss:$0x1], $0xffff  }
.Ltmp4:
0x56: {  	_ = 	snop;
	(pc) =	sbr.rel .LBB1_4-.Ltmp4, $1  }
0x57: {  	_ =	sdelay $0x3  }
.LBB1_6:
0x58: {  	_ =	sfence.sel $0x180000  }
0x59: {  	s2 =	simm.s32 $0x1;
	[bflag:$0x0] =	sbarrier.arrive $0xFFFF  }
0x5a: {  	s31 =	simm.s32 $0x2;
	[sflag:s2] =	ssyncpa.u1 $0x1  }
0x5b: {  	[sflag:s31] =	ssyncpa.u1 $0x1  }
0x5c: {  	p0 =	sne.s32 s0, $0x0;
	_ =	strace $0x9000004A  }
0x5d: {  	s0 =	sadd.s32 @!p0 $0x100000, s1;
	[bflag:$0x2] =	sbarrier.arrive $0xFFFF  }
0x5e: {  	[sflag:s0] =	ssyncadd.tile.s32 @!p0 $0x1;
	_ =	shalt  }
.Lfunc_end1:
_tile_overlayer_lowered:
.L_overlay_start_2:
0x5f: {  	(tag) =	ssettag $0x2  }
0x60: {  	s0 =	rddreg [dreg:$0x0];
	s2 =	stileid.u32  }
0x61: {  	s1 =	rddreg [dreg:$0x1];
	p0 =	sne.s32 s2, $0x0  }
0x62: {  	s3 =	rddreg [dreg:$0x2];
	[bflag:$0x3] =	sbarrier.arrive $0xFFFF;
	s2 =	simm.s32 @!p0 $0x1C01  }
0x63: {  	[timem:s3], [sflag:s2] =	dma.local @!p0 [hbm:s0], s1  }
0x64: {  	s0 =	simm.s32 @!p0 $0x1  }
0x65: {  	_ =	swait.ge @!p0 [sflag:s0], s1  }
0x66: {  	s1 =	ssub.s32 @!p0 $0x0, s1;
	[sflag:s0] =	ssyncset.done @!p0 $0x0  }
0x67: {  	[sflag:s0] =	ssyncadd.s32 @!p0 s1  }
0x68: {  	[bflag:$0x3] =	sbarrier.arrive $0xFFFF  }
0x69: {  	_ =	shalt  }

</sc_bundles>
